<compile_context>
chip_gen: v7x
topology: tpu7x:2x2x1
jax: 0.10.2.dev20260603
libtpu: 0.0.44.dev20260713+nightly
codegen_flags: <defaults>
</compile_context>

<pallas_src>
import functools

import jax
import jax.numpy as jnp
from jax import lax
from jax.experimental import pallas as pl
from jax.experimental.pallas import tpu as pltpu
from jax.experimental.pallas import tpu_sc as plsc

_PEOPLE = 30
_JOINTS = 17
_PPAD = 64
_KP_ROW = _PPAD * _JOINTS * 2
_KP = _PEOPLE * _JOINTS
_EPS = 1e-6


@functools.lru_cache(maxsize=None)
def _build(num_images, tags_per_image):
    mesh = plsc.VectorSubcoreMesh(
        core_axis_name="c", subcore_axis_name="s", num_cores=1)
    per_core = num_images

    def body(tags_ref, kp_ref, out_ref, kp_v, idx_v, gat_v,
             mean_v, val_v, row_v, sem):
        cid = lax.axis_index("c")
        sid = lax.axis_index("s")
        img = cid * per_core + sid
        lanes = lax.iota(jnp.int32, 16)

        @pl.when(sid < per_core)
        def _():
            pltpu.sync_copy(kp_ref.at[img], kp_v)

            off = jnp.full((16,), img * tags_per_image, jnp.int32)

            @pl.loop(0, 32)
            def _(c):
                flat = lanes + c * 16
                a_idx = jnp.minimum(flat * 2, 2 * _KP - 2)
                kv = plsc.load_gather(kp_v, [a_idx])
                idx_v[pl.ds(c * 16, 16)] = kv + off

            copies = []
            for b in range(4):
                copies.append(pltpu.async_copy(
                    tags_ref.at[idx_v.at[pl.ds(b * 128, 128)]],
                    gat_v.at[pl.ds(b * 128, 128)], sem))
            for cp in copies:
                cp.wait()

            pull_acc = jnp.zeros((16,), jnp.float32)
            nval_acc = jnp.zeros((16,), jnp.float32)
            fz = jnp.zeros((16,), jnp.float32)
            for pv in range(2):
                p0 = lanes + pv * 16
                pmask = p0 < _PEOPLE
                base = p0 * _JOINTS

                @pl.loop(0, _JOINTS, init_carry=(fz, fz, fz))
                def sums(j, carry):
                    s1, s2, cnt = carry
                    g = plsc.load_gather(gat_v, [base + j])
                    vi = plsc.load_gather(kp_v, [(base + j) * 2 + 1])
                    vb = (vi > 0) & pmask
                    s1 = s1 + jnp.where(vb, g, 0.0)
                    s2 = s2 + jnp.where(vb, g * g, 0.0)
                    cnt = cnt + jnp.where(vb, 1.0, 0.0)
                    return s1, s2, cnt

                s1, s2, cnt = sums
                safe = jnp.maximum(cnt, 1.0)
                mean = s1 / safe
                valid = cnt > 0.0
                pull_acc = pull_acc + jnp.where(
                    valid, (s2 - mean * s1) / safe, 0.0)
                nval_acc = nval_acc + jnp.where(valid, 1.0, 0.0)
                mean_v[pl.ds(pv * 16, 16)] = mean
                val_v[pl.ds(pv * 16, 16)] = jnp.where(valid, 1.0, 0.0)

            @pl.loop(1, _PEOPLE, init_carry=fz)
            def push_acc(q, acc):
                qs = jnp.broadcast_to(q, (16,))
                mq = plsc.load_gather(mean_v, [qs])
                vq = plsc.load_gather(val_v, [qs])
                for pv in range(2):
                    p0 = lanes + pv * 16
                    mp = mean_v[pl.ds(pv * 16, 16)]
                    vp = val_v[pl.ds(pv * 16, 16)]
                    d2 = (mp - mq) * (mp - mq)
                    sel = ((p0 < q) & (d2 != 0.0)
                           & (vp > 0.0) & (vq > 0.0))
                    acc = acc + jnp.where(sel, jnp.exp(-d2), 0.0)
                return acc

            pull = jnp.broadcast_to(jnp.sum(pull_acc), (16,))
            push = jnp.broadcast_to(jnp.sum(push_acc), (16,))
            n = jnp.broadcast_to(jnp.sum(nval_acc), (16,))
            push_o = jnp.where(n > 0.0, push / ((n - 1.0) * n + _EPS), 0.0)
            pull_o = jnp.where(n > 0.0, pull / (n + _EPS), 0.0)
            row_v[...] = jnp.where(lanes == 0, push_o,
                                   jnp.where(lanes == 1, pull_o, 0.0))
            pltpu.sync_copy(row_v, out_ref.at[img])

    return pl.kernel(
        body,
        out_type=jax.ShapeDtypeStruct((num_images, 16), jnp.float32),
        mesh=mesh,
        compiler_params=pltpu.CompilerParams(needs_layout_passes=False),
        scratch_types=[
            pltpu.VMEM((_KP_ROW,), jnp.int32),
            pltpu.VMEM((512,), jnp.int32),
            pltpu.VMEM((544,), jnp.float32),
            pltpu.VMEM((32,), jnp.float32),
            pltpu.VMEM((32,), jnp.float32),
            pltpu.VMEM((16,), jnp.float32),
            pltpu.SemaphoreType.DMA,
        ],
    )


def kernel(tags, keypoints):
    num_images, tags_per_image, _ = tags.shape
    tags_flat = tags.reshape(num_images * tags_per_image)
    kp_pad = jnp.pad(
        keypoints, ((0, 0), (0, _PPAD - _PEOPLE), (0, 0), (0, 0)))
    kp2 = kp_pad.reshape(num_images, _KP_ROW)
    out = _build(num_images, tags_per_image)(tags_flat, kp2)
    return out[:, :2]

# --- scband reference (transcript-rebuilt; emitter-appended) ---
"""Pipeline reference for scband-aeloss-11708080848916 (READ-ONLY COPY).

The authoritative reference and input builder live on the scoring server;
editing this copy changes nothing except your own understanding.
"""

import jax, jax.numpy as jnp
import numpy as np


def setup_inputs(seed: int = 0) -> dict:
    key = jax.random.key(seed)
    k1, k2 = jax.random.split(key)
    tags = jax.random.normal(k1, (16, 278528, 1), dtype=jnp.float32)
    keypoints = jax.random.randint(k2, (16, 30, 17, 2), 0, 278528, dtype=jnp.int32)
    return {"tags": tags, "keypoints": keypoints}


def _single_image_tag_loss(tags_i, kp):
    # tags_i: [17*R*R, tag_dim] (jnp, possibly traced)
    # kp:     [max_people, 17, 2] traced jnp int array
    eps = 1e-06
    idx = kp[:, :, 0]
    vis = kp[:, :, 1] > 0
    gathered = tags_i[idx]  # [max_people, 17, tag_dim]
    visf = vis.astype(tags_i.dtype)[..., None]
    count = jnp.sum(vis, axis=1).astype(tags_i.dtype)  # [max_people]
    valid = count > 0
    safe_count = jnp.where(valid, count, jnp.ones((), tags_i.dtype))
    mean_tags = jnp.sum(gathered * visf, axis=1) / safe_count[:, None]
    d2 = jnp.sum((gathered - mean_tags[:, None, :]) ** 2, axis=2)  # [max_people, 17]
    pull_p = jnp.sum(jnp.where(vis, d2, 0.0), axis=1) / safe_count
    pull = jnp.sum(jnp.where(valid, pull_p, 0.0))
    n = jnp.sum(valid).astype(tags_i.dtype)
    diff = jnp.sum((mean_tags[:, None, :] - mean_tags[None, :, :]) ** 2, axis=2)
    p_max = mean_tags.shape[0]
    triu_mask = jnp.triu(jnp.ones((p_max, p_max), dtype=bool), 1)
    sel = triu_mask & (diff != 0) & valid[:, None] & valid[None, :]  # mirrors diff.triu(1).nonzero() selection
    push = jnp.sum(jnp.where(sel, jnp.exp(-diff), 0.0))
    push_out = jnp.where(n > 0, push / ((n - 1) * n + eps), jnp.zeros(()))
    pull_out = jnp.where(n > 0, pull / (n + eps), jnp.zeros(()))
    return push_out, pull_out


def reference(tags, keypoints):
    pushes, pulls = [], []
    for i in range(tags.shape[0]):
        push, pull = _single_image_tag_loss(tags[i], keypoints[i])
        pushes.append(push.reshape(1))
        pulls.append(pull.reshape(1))
    return jnp.concatenate([jnp.stack(pushes), jnp.stack(pulls)], axis=1)

if __name__ == "__main__":
    import jax
    _d = setup_inputs()
    print(jax.jit(kernel)(*tuple(_d.values())))

</pallas_src>

<mosaic_0001>
#map = affine_map<(d0, d1) -> (0)>
#map1 = affine_map<(d0, d1) -> (0, 0)>
module attributes {stable_mosaic.version = 14 : i64} {
  func.func @body(%arg0: i32, %arg1: i32, %arg2: memref<4456448xf32, #tpu.memory_space<hbm>>, %arg3: memref<16x2176xi32, #tpu.memory_space<hbm>>, %arg4: memref<16x16xf32, #tpu.memory_space<hbm>>, %arg5: memref<2176xi32, #tpu.memory_space<vmem>>, %arg6: memref<512xi32, #tpu.memory_space<vmem>>, %arg7: memref<544xf32, #tpu.memory_space<vmem>>, %arg8: memref<32xf32, #tpu.memory_space<vmem>>, %arg9: memref<32xf32, #tpu.memory_space<vmem>>, %arg10: memref<16xf32, #tpu.memory_space<vmem>>, %arg11: memref<!tpu.dma_semaphore, #tpu.memory_space<semaphore_mem>>) attributes {dimension_semantics = [#tpu.dimension_semantics<core_parallel>, #tpu.dimension_semantics<subcore_parallel>], iteration_bounds = array<i64: 1, 16>, scalar_prefetch = 0 : i64, scratch_operands = 7 : i64, tpu.core_type = #tpu.core_type<sc_vector_subcore>, window_params = [{transform_indices = #map}, {transform_indices = #map1}, {transform_indices = #map1}]} {
    %mul3A = arith.constant 16 : i32
    %mul3A_0 = arith.muli %arg0, %mul3A : i32
    %add3A = arith.addi %mul3A_0, %arg1 : i32
    %iota3A = tpu.iota {dimensions = array<i32: 0>} : vector<16xi32>
    %lt3A = arith.constant 16 : i32
    %lt3A_1 = arith.cmpi slt, %arg1, %lt3A : i32
    %convert_element_type3A = arith.extui %lt3A_1 : i1 to i32
    %cond3A = arith.constant 0 : i32
    %cond3A_2 = arith.cmpi ne, %convert_element_type3A, %cond3A : i32
    scf.if %cond3A_2 {
      "tpu.region"() ({
        %run_scoped3A = tpu.sem_alloc : memref<!tpu.dma_semaphore, #tpu.memory_space<semaphore_mem>>
        %dma_start3A_197 = arith.constant 0 : i32
        %dma_start3A_198 = tpu.memref_slice %arg3[%add3A, %dma_start3A_197] : memref<16x2176xi32, #tpu.memory_space<hbm>> -> memref<1x2176xi32, #tpu.memory_space<hbm>>
        %dma_start3A_199 = tpu.memref_squeeze %dma_start3A_198 : memref<1x2176xi32, #tpu.memory_space<hbm>> -> memref<2176xi32, #tpu.memory_space<hbm>>
        %dma_start3A_200 = arith.constant 0 : i32
        %dma_start3A_201 = tpu.memref_slice %arg3[%add3A, %dma_start3A_200] : memref<16x2176xi32, #tpu.memory_space<hbm>> -> memref<1x2176xi32, #tpu.memory_space<hbm>>
        %dma_start3A_202 = tpu.memref_squeeze %dma_start3A_201 : memref<1x2176xi32, #tpu.memory_space<hbm>> -> memref<2176xi32, #tpu.memory_space<hbm>>
        tpu.enqueue_dma source(%dma_start3A_202 : memref<2176xi32, #tpu.memory_space<hbm>>) target(%arg5 : memref<2176xi32, #tpu.memory_space<vmem>>) target_semaphore(%run_scoped3A : memref<!tpu.dma_semaphore, #tpu.memory_space<semaphore_mem>>)
        %dma_wait3A_203 = arith.constant 0 : i32
        %dma_wait3A_204 = tpu.memref_slice %arg3[%add3A, %dma_wait3A_203] : memref<16x2176xi32, #tpu.memory_space<hbm>> -> memref<1x2176xi32, #tpu.memory_space<hbm>>
        %dma_wait3A_205 = tpu.memref_squeeze %dma_wait3A_204 : memref<1x2176xi32, #tpu.memory_space<hbm>> -> memref<2176xi32, #tpu.memory_space<hbm>>
        %dma_wait3A_206 = arith.constant 0 : i32
        %dma_wait3A_207 = tpu.memref_slice %arg3[%add3A, %dma_wait3A_206] : memref<16x2176xi32, #tpu.memory_space<hbm>> -> memref<1x2176xi32, #tpu.memory_space<hbm>>
        %dma_wait3A_208 = tpu.memref_squeeze %dma_wait3A_207 : memref<1x2176xi32, #tpu.memory_space<hbm>> -> memref<2176xi32, #tpu.memory_space<hbm>>
        tpu.wait_dma2 semaphore(%run_scoped3A : memref<!tpu.dma_semaphore, #tpu.memory_space<semaphore_mem>>) src(%dma_wait3A_208 : memref<2176xi32, #tpu.memory_space<hbm>>) dst(%arg5 : memref<2176xi32, #tpu.memory_space<vmem>>)
        tpu.yield
      }) : () -> ()
      %mul3A_3 = arith.constant 278528 : i32
      %mul3A_4 = arith.muli %add3A, %mul3A_3 : i32
      %broadcast_in_dim3A = vector.broadcast %mul3A_4 : i32 to vector<16xi32>
      %scan3A = arith.constant 0 : i32
      %scan3A_5 = arith.constant 32 : i32
      %scan3A_6 = arith.addi %scan3A, %scan3A_5 : i32
      %scan3A_7 = arith.constant 1 : i32
      scf.for %scan3A_197 = %scan3A to %scan3A_6 step %scan3A_7  : i32 {
        %mul3A_198 = arith.constant 1 : i32
        %mul3A_199 = arith.muli %scan3A_197, %mul3A_198 : i32
        %add3A_200 = arith.constant 0 : i32
        %add3A_201 = arith.addi %add3A_200, %mul3A_199 : i32
        %mul3A_202 = arith.constant 16 : i32
        %mul3A_203 = arith.muli %add3A_201, %mul3A_202 : i32
        %add3A_204 = vector.broadcast %mul3A_203 : i32 to vector<16xi32>
        %add3A_205 = arith.addi %iota3A, %add3A_204 : vector<16xi32>
        %mul3A_206 = arith.constant 2 : i32
        %mul3A_207 = vector.broadcast %mul3A_206 : i32 to vector<16xi32>
        %mul3A_208 = arith.muli %add3A_205, %mul3A_207 : vector<16xi32>
        %min3A = arith.constant 1018 : i32
        %min3A_209 = vector.broadcast %min3A : i32 to vector<16xi32>
        %min3A_210 = arith.minsi %mul3A_208, %min3A_209 : vector<16xi32>
        %gather3A = tpu.vector_load_idx %arg5[%min3A_210] : memref<2176xi32, #tpu.memory_space<vmem>>[vector<16xi32>], vector<16xi32>,
        %add3A_211 = arith.addi %gather3A, %broadcast_in_dim3A : vector<16xi32>
        %mul3A_212 = arith.constant 16 : i32
        %mul3A_213 = arith.muli %add3A_201, %mul3A_212 : i32
        %swap3A_214 = arith.index_cast %mul3A_213 : i32 to index
        %swap3A_215 = tpu.vector_load %arg6[%swap3A_214] {strides = array<i32>} : memref<512xi32, #tpu.memory_space<vmem>>, vector<16xi32>,
        tpu.vector_store %arg6[%swap3A_214], %add3A_211 {strides = array<i32>} : memref<512xi32, #tpu.memory_space<vmem>>, vector<16xi32>,
      }
      %scan3A_8 = arith.constant 32 : i32
      %dma_start3A = arith.constant 0 : i32
      %dma_start3A_9 = tpu.memref_slice %arg7[%dma_start3A] : memref<544xf32, #tpu.memory_space<vmem>> -> memref<128xf32, #tpu.memory_space<vmem>>
      %dma_start3A_10 = arith.constant 0 : i32
      %dma_start3A_11 = tpu.memref_slice %arg6[%dma_start3A_10] : memref<512xi32, #tpu.memory_space<vmem>> -> memref<128xi32, #tpu.memory_space<vmem>>
      %dma_start3A_12 = arith.constant 0 : i32
      %dma_start3A_13 = tpu.memref_slice %arg2[%dma_start3A_12] : memref<4456448xf32, #tpu.memory_space<hbm>> -> memref<4456448xf32, #tpu.memory_space<hbm>>
      tpu.enqueue_indirect_dma source(%dma_start3A_13 : memref<4456448xf32, #tpu.memory_space<hbm>>) target(%dma_start3A_9 : memref<128xf32, #tpu.memory_space<vmem>>) offsets(%dma_start3A_11 : memref<128xi32, #tpu.memory_space<vmem>>) semaphore(%arg11 : memref<!tpu.dma_semaphore, #tpu.memory_space<semaphore_mem>>)
      %dma_start3A_14 = arith.constant 128 : i32
      %dma_start3A_15 = tpu.memref_slice %arg7[%dma_start3A_14] : memref<544xf32, #tpu.memory_space<vmem>> -> memref<128xf32, #tpu.memory_space<vmem>>
      %dma_start3A_16 = arith.constant 128 : i32
      %dma_start3A_17 = tpu.memref_slice %arg6[%dma_start3A_16] : memref<512xi32, #tpu.memory_space<vmem>> -> memref<128xi32, #tpu.memory_space<vmem>>
      %dma_start3A_18 = arith.constant 0 : i32
      %dma_start3A_19 = tpu.memref_slice %arg2[%dma_start3A_18] : memref<4456448xf32, #tpu.memory_space<hbm>> -> memref<4456448xf32, #tpu.memory_space<hbm>>
      tpu.enqueue_indirect_dma source(%dma_start3A_19 : memref<4456448xf32, #tpu.memory_space<hbm>>) target(%dma_start3A_15 : memref<128xf32, #tpu.memory_space<vmem>>) offsets(%dma_start3A_17 : memref<128xi32, #tpu.memory_space<vmem>>) semaphore(%arg11 : memref<!tpu.dma_semaphore, #tpu.memory_space<semaphore_mem>>)
      %dma_start3A_20 = arith.constant 256 : i32
      %dma_start3A_21 = tpu.memref_slice %arg7[%dma_start3A_20] : memref<544xf32, #tpu.memory_space<vmem>> -> memref<128xf32, #tpu.memory_space<vmem>>
      %dma_start3A_22 = arith.constant 256 : i32
      %dma_start3A_23 = tpu.memref_slice %arg6[%dma_start3A_22] : memref<512xi32, #tpu.memory_space<vmem>> -> memref<128xi32, #tpu.memory_space<vmem>>
      %dma_start3A_24 = arith.constant 0 : i32
      %dma_start3A_25 = tpu.memref_slice %arg2[%dma_start3A_24] : memref<4456448xf32, #tpu.memory_space<hbm>> -> memref<4456448xf32, #tpu.memory_space<hbm>>
      tpu.enqueue_indirect_dma source(%dma_start3A_25 : memref<4456448xf32, #tpu.memory_space<hbm>>) target(%dma_start3A_21 : memref<128xf32, #tpu.memory_space<vmem>>) offsets(%dma_start3A_23 : memref<128xi32, #tpu.memory_space<vmem>>) semaphore(%arg11 : memref<!tpu.dma_semaphore, #tpu.memory_space<semaphore_mem>>)
      %dma_start3A_26 = arith.constant 384 : i32
      %dma_start3A_27 = tpu.memref_slice %arg7[%dma_start3A_26] : memref<544xf32, #tpu.memory_space<vmem>> -> memref<128xf32, #tpu.memory_space<vmem>>
      %dma_start3A_28 = arith.constant 384 : i32
      %dma_start3A_29 = tpu.memref_slice %arg6[%dma_start3A_28] : memref<512xi32, #tpu.memory_space<vmem>> -> memref<128xi32, #tpu.memory_space<vmem>>
      %dma_start3A_30 = arith.constant 0 : i32
      %dma_start3A_31 = tpu.memref_slice %arg2[%dma_start3A_30] : memref<4456448xf32, #tpu.memory_space<hbm>> -> memref<4456448xf32, #tpu.memory_space<hbm>>
      tpu.enqueue_indirect_dma source(%dma_start3A_31 : memref<4456448xf32, #tpu.memory_space<hbm>>) target(%dma_start3A_27 : memref<128xf32, #tpu.memory_space<vmem>>) offsets(%dma_start3A_29 : memref<128xi32, #tpu.memory_space<vmem>>) semaphore(%arg11 : memref<!tpu.dma_semaphore, #tpu.memory_space<semaphore_mem>>)
      %dma_wait3A = arith.constant 0 : i32
      %dma_wait3A_32 = tpu.memref_slice %arg7[%dma_wait3A] : memref<544xf32, #tpu.memory_space<vmem>> -> memref<128xf32, #tpu.memory_space<vmem>>
      %dma_wait3A_33 = arith.constant 0 : i32
      %dma_wait3A_34 = tpu.memref_slice %arg6[%dma_wait3A_33] : memref<512xi32, #tpu.memory_space<vmem>> -> memref<128xi32, #tpu.memory_space<vmem>>
      %dma_wait3A_35 = arith.constant 0 : i32
      %dma_wait3A_36 = tpu.memref_slice %arg2[%dma_wait3A_35] : memref<4456448xf32, #tpu.memory_space<hbm>> -> memref<4456448xf32, #tpu.memory_space<hbm>>
      tpu.wait_indirect_dma semaphore(%arg11 : memref<!tpu.dma_semaphore, #tpu.memory_space<semaphore_mem>>) src(%dma_wait3A_36 : memref<4456448xf32, #tpu.memory_space<hbm>>) dst(%dma_wait3A_32 : memref<128xf32, #tpu.memory_space<vmem>>)
      %dma_wait3A_37 = arith.constant 128 : i32
      %dma_wait3A_38 = tpu.memref_slice %arg7[%dma_wait3A_37] : memref<544xf32, #tpu.memory_space<vmem>> -> memref<128xf32, #tpu.memory_space<vmem>>
      %dma_wait3A_39 = arith.constant 128 : i32
      %dma_wait3A_40 = tpu.memref_slice %arg6[%dma_wait3A_39] : memref<512xi32, #tpu.memory_space<vmem>> -> memref<128xi32, #tpu.memory_space<vmem>>
      %dma_wait3A_41 = arith.constant 0 : i32
      %dma_wait3A_42 = tpu.memref_slice %arg2[%dma_wait3A_41] : memref<4456448xf32, #tpu.memory_space<hbm>> -> memref<4456448xf32, #tpu.memory_space<hbm>>
      tpu.wait_indirect_dma semaphore(%arg11 : memref<!tpu.dma_semaphore, #tpu.memory_space<semaphore_mem>>) src(%dma_wait3A_42 : memref<4456448xf32, #tpu.memory_space<hbm>>) dst(%dma_wait3A_38 : memref<128xf32, #tpu.memory_space<vmem>>)
      %dma_wait3A_43 = arith.constant 256 : i32
      %dma_wait3A_44 = tpu.memref_slice %arg7[%dma_wait3A_43] : memref<544xf32, #tpu.memory_space<vmem>> -> memref<128xf32, #tpu.memory_space<vmem>>
      %dma_wait3A_45 = arith.constant 256 : i32
      %dma_wait3A_46 = tpu.memref_slice %arg6[%dma_wait3A_45] : memref<512xi32, #tpu.memory_space<vmem>> -> memref<128xi32, #tpu.memory_space<vmem>>
      %dma_wait3A_47 = arith.constant 0 : i32
      %dma_wait3A_48 = tpu.memref_slice %arg2[%dma_wait3A_47] : memref<4456448xf32, #tpu.memory_space<hbm>> -> memref<4456448xf32, #tpu.memory_space<hbm>>
      tpu.wait_indirect_dma semaphore(%arg11 : memref<!tpu.dma_semaphore, #tpu.memory_space<semaphore_mem>>) src(%dma_wait3A_48 : memref<4456448xf32, #tpu.memory_space<hbm>>) dst(%dma_wait3A_44 : memref<128xf32, #tpu.memory_space<vmem>>)
      %dma_wait3A_49 = arith.constant 384 : i32
      %dma_wait3A_50 = tpu.memref_slice %arg7[%dma_wait3A_49] : memref<544xf32, #tpu.memory_space<vmem>> -> memref<128xf32, #tpu.memory_space<vmem>>
      %dma_wait3A_51 = arith.constant 384 : i32
      %dma_wait3A_52 = tpu.memref_slice %arg6[%dma_wait3A_51] : memref<512xi32, #tpu.memory_space<vmem>> -> memref<128xi32, #tpu.memory_space<vmem>>
      %dma_wait3A_53 = arith.constant 0 : i32
      %dma_wait3A_54 = tpu.memref_slice %arg2[%dma_wait3A_53] : memref<4456448xf32, #tpu.memory_space<hbm>> -> memref<4456448xf32, #tpu.memory_space<hbm>>
      tpu.wait_indirect_dma semaphore(%arg11 : memref<!tpu.dma_semaphore, #tpu.memory_space<semaphore_mem>>) src(%dma_wait3A_54 : memref<4456448xf32, #tpu.memory_space<hbm>>) dst(%dma_wait3A_50 : memref<128xf32, #tpu.memory_space<vmem>>)
      %broadcast_in_dim3A_55 = arith.constant 0.000000e+00 : f32
      %broadcast_in_dim3A_56 = vector.broadcast %broadcast_in_dim3A_55 : f32 to vector<16xf32>
      %broadcast_in_dim3A_57 = arith.constant 0.000000e+00 : f32
      %broadcast_in_dim3A_58 = vector.broadcast %broadcast_in_dim3A_57 : f32 to vector<16xf32>
      %broadcast_in_dim3A_59 = arith.constant 0.000000e+00 : f32
      %broadcast_in_dim3A_60 = vector.broadcast %broadcast_in_dim3A_59 : f32 to vector<16xf32>
      %add3A_61 = arith.constant 0 : i32
      %add3A_62 = vector.broadcast %add3A_61 : i32 to vector<16xi32>
      %add3A_63 = arith.addi %iota3A, %add3A_62 : vector<16xi32>
      %lt3A_64 = arith.constant 30 : i32
      %lt3A_65 = vector.broadcast %lt3A_64 : i32 to vector<16xi32>
      %lt3A_66 = arith.cmpi slt, %add3A_63, %lt3A_65 : vector<16xi32>
      %mul3A_67 = arith.constant 17 : i32
      %mul3A_68 = vector.broadcast %mul3A_67 : i32 to vector<16xi32>
      %mul3A_69 = arith.muli %add3A_63, %mul3A_68 : vector<16xi32>
      %scan3A_70 = arith.constant 0 : i32
      %scan3A_71 = arith.constant 17 : i32
      %scan3A_72 = arith.addi %scan3A_70, %scan3A_71 : i32
      %scan3A_73 = arith.constant 1 : i32
      %scan3A_74:3 = scf.for %scan3A_197 = %scan3A_70 to %scan3A_72 step %scan3A_73 iter_args(%scan3A_198 = %broadcast_in_dim3A_60, %scan3A_199 = %broadcast_in_dim3A_60, %scan3A_200 = %broadcast_in_dim3A_60) -> (vector<16xf32>, vector<16xf32>, vector<16xf32>)  : i32 {
        %mul3A_201 = arith.constant 1 : i32
        %mul3A_202 = arith.muli %scan3A_197, %mul3A_201 : i32
        %add3A_203 = arith.constant 0 : i32
        %add3A_204 = arith.addi %add3A_203, %mul3A_202 : i32
        %add3A_205 = vector.broadcast %add3A_204 : i32 to vector<16xi32>
        %add3A_206 = arith.addi %mul3A_69, %add3A_205 : vector<16xi32>
        %gather3A = tpu.vector_load_idx %arg7[%add3A_206] : memref<544xf32, #tpu.memory_space<vmem>>[vector<16xi32>], vector<16xf32>,
        %add3A_207 = vector.broadcast %add3A_204 : i32 to vector<16xi32>
        %add3A_208 = arith.addi %mul3A_69, %add3A_207 : vector<16xi32>
        %mul3A_209 = arith.constant 2 : i32
        %mul3A_210 = vector.broadcast %mul3A_209 : i32 to vector<16xi32>
        %mul3A_211 = arith.muli %add3A_208, %mul3A_210 : vector<16xi32>
        %add3A_212 = arith.constant 1 : i32
        %add3A_213 = vector.broadcast %add3A_212 : i32 to vector<16xi32>
        %add3A_214 = arith.addi %mul3A_211, %add3A_213 : vector<16xi32>
        %gather3A_215 = tpu.vector_load_idx %arg5[%add3A_214] : memref<2176xi32, #tpu.memory_space<vmem>>[vector<16xi32>], vector<16xi32>,
        %gt3A_216 = arith.constant 0 : i32
        %gt3A_217 = vector.broadcast %gt3A_216 : i32 to vector<16xi32>
        %gt3A_218 = arith.cmpi sgt, %gather3A_215, %gt3A_217 : vector<16xi32>
        %and3A = arith.andi %gt3A_218, %lt3A_66 : vector<16xi1>
        %jit3A_219 = arith.constant 0.000000e+00 : f32
        %broadcast_in_dim3A_220 = vector.broadcast %jit3A_219 : f32 to vector<16xf32>
        %select_n3A_221 = arith.select %and3A, %gather3A, %broadcast_in_dim3A_220 : vector<16xi1>, vector<16xf32>
        %add3A_222 = arith.addf %scan3A_198, %select_n3A_221 : vector<16xf32>
        %mul3A_223 = arith.mulf %gather3A, %gather3A : vector<16xf32>
        %jit3A_224 = arith.constant 0.000000e+00 : f32
        %broadcast_in_dim3A_225 = vector.broadcast %jit3A_224 : f32 to vector<16xf32>
        %select_n3A_226 = arith.select %and3A, %mul3A_223, %broadcast_in_dim3A_225 : vector<16xi1>, vector<16xf32>
        %add3A_227 = arith.addf %scan3A_199, %select_n3A_226 : vector<16xf32>
        %jit3A_228 = arith.constant 1.000000e+00 : f32
        %jit3A_229 = arith.constant 0.000000e+00 : f32
        %broadcast_in_dim3A_230 = vector.broadcast %jit3A_228 : f32 to vector<16xf32>
        %broadcast_in_dim3A_231 = vector.broadcast %jit3A_229 : f32 to vector<16xf32>
        %select_n3A_232 = arith.select %and3A, %broadcast_in_dim3A_230, %broadcast_in_dim3A_231 : vector<16xi1>, vector<16xf32>
        %add3A_233 = arith.addf %scan3A_200, %select_n3A_232 : vector<16xf32>
        scf.yield %add3A_222, %add3A_227, %add3A_233 : vector<16xf32>, vector<16xf32>, vector<16xf32>
      }
      %scan3A_75 = arith.constant 17 : i32
      %max3A = arith.constant 1.000000e+00 : f32
      %max3A_76 = vector.broadcast %max3A : f32 to vector<16xf32>
      %max3A_77 = arith.maximumf %scan3A_74#2, %max3A_76 : vector<16xf32>
      %div3A = arith.divf %scan3A_74#0, %max3A_77 : vector<16xf32>
      %gt3A = arith.constant 0.000000e+00 : f32
      %gt3A_78 = vector.broadcast %gt3A : f32 to vector<16xf32>
      %gt3A_79 = arith.cmpf ogt, %scan3A_74#2, %gt3A_78 : vector<16xf32>
      %mul3A_80 = arith.mulf %div3A, %scan3A_74#0 : vector<16xf32>
      %sub3A = arith.subf %scan3A_74#1, %mul3A_80 : vector<16xf32>
      %div3A_81 = arith.divf %sub3A, %max3A_77 : vector<16xf32>
      %jit3A = arith.constant 0.000000e+00 : f32
      %broadcast_in_dim3A_82 = vector.broadcast %jit3A : f32 to vector<16xf32>
      %select_n3A = arith.select %gt3A_79, %div3A_81, %broadcast_in_dim3A_82 : vector<16xi1>, vector<16xf32>
      %add3A_83 = arith.addf %broadcast_in_dim3A_56, %select_n3A : vector<16xf32>
      %jit3A_84 = arith.constant 1.000000e+00 : f32
      %jit3A_85 = arith.constant 0.000000e+00 : f32
      %broadcast_in_dim3A_86 = vector.broadcast %jit3A_84 : f32 to vector<16xf32>
      %broadcast_in_dim3A_87 = vector.broadcast %jit3A_85 : f32 to vector<16xf32>
      %select_n3A_88 = arith.select %gt3A_79, %broadcast_in_dim3A_86, %broadcast_in_dim3A_87 : vector<16xi1>, vector<16xf32>
      %add3A_89 = arith.addf %broadcast_in_dim3A_58, %select_n3A_88 : vector<16xf32>
      %swap3A = arith.constant 0 : index
      %swap3A_90 = tpu.vector_load %arg8[%swap3A] {strides = array<i32>} : memref<32xf32, #tpu.memory_space<vmem>>, vector<16xf32>,
      tpu.vector_store %arg8[%swap3A], %div3A {strides = array<i32>} : memref<32xf32, #tpu.memory_space<vmem>>, vector<16xf32>,
      %jit3A_91 = arith.constant 1.000000e+00 : f32
      %jit3A_92 = arith.constant 0.000000e+00 : f32
      %broadcast_in_dim3A_93 = vector.broadcast %jit3A_91 : f32 to vector<16xf32>
      %broadcast_in_dim3A_94 = vector.broadcast %jit3A_92 : f32 to vector<16xf32>
      %select_n3A_95 = arith.select %gt3A_79, %broadcast_in_dim3A_93, %broadcast_in_dim3A_94 : vector<16xi1>, vector<16xf32>
      %swap3A_96 = arith.constant 0 : index
      %swap3A_97 = tpu.vector_load %arg9[%swap3A_96] {strides = array<i32>} : memref<32xf32, #tpu.memory_space<vmem>>, vector<16xf32>,
      tpu.vector_store %arg9[%swap3A_96], %select_n3A_95 {strides = array<i32>} : memref<32xf32, #tpu.memory_space<vmem>>, vector<16xf32>,
      %add3A_98 = arith.constant 16 : i32
      %add3A_99 = vector.broadcast %add3A_98 : i32 to vector<16xi32>
      %add3A_100 = arith.addi %iota3A, %add3A_99 : vector<16xi32>
      %lt3A_101 = arith.constant 30 : i32
      %lt3A_102 = vector.broadcast %lt3A_101 : i32 to vector<16xi32>
      %lt3A_103 = arith.cmpi slt, %add3A_100, %lt3A_102 : vector<16xi32>
      %mul3A_104 = arith.constant 17 : i32
      %mul3A_105 = vector.broadcast %mul3A_104 : i32 to vector<16xi32>
      %mul3A_106 = arith.muli %add3A_100, %mul3A_105 : vector<16xi32>
      %scan3A_107 = arith.constant 0 : i32
      %scan3A_108 = arith.constant 17 : i32
      %scan3A_109 = arith.addi %scan3A_107, %scan3A_108 : i32
      %scan3A_110 = arith.constant 1 : i32
      %scan3A_111:3 = scf.for %scan3A_197 = %scan3A_107 to %scan3A_109 step %scan3A_110 iter_args(%scan3A_198 = %broadcast_in_dim3A_60, %scan3A_199 = %broadcast_in_dim3A_60, %scan3A_200 = %broadcast_in_dim3A_60) -> (vector<16xf32>, vector<16xf32>, vector<16xf32>)  : i32 {
        %mul3A_201 = arith.constant 1 : i32
        %mul3A_202 = arith.muli %scan3A_197, %mul3A_201 : i32
        %add3A_203 = arith.constant 0 : i32
        %add3A_204 = arith.addi %add3A_203, %mul3A_202 : i32
        %add3A_205 = vector.broadcast %add3A_204 : i32 to vector<16xi32>
        %add3A_206 = arith.addi %mul3A_106, %add3A_205 : vector<16xi32>
        %gather3A = tpu.vector_load_idx %arg7[%add3A_206] : memref<544xf32, #tpu.memory_space<vmem>>[vector<16xi32>], vector<16xf32>,
        %add3A_207 = vector.broadcast %add3A_204 : i32 to vector<16xi32>
        %add3A_208 = arith.addi %mul3A_106, %add3A_207 : vector<16xi32>
        %mul3A_209 = arith.constant 2 : i32
        %mul3A_210 = vector.broadcast %mul3A_209 : i32 to vector<16xi32>
        %mul3A_211 = arith.muli %add3A_208, %mul3A_210 : vector<16xi32>
        %add3A_212 = arith.constant 1 : i32
        %add3A_213 = vector.broadcast %add3A_212 : i32 to vector<16xi32>
        %add3A_214 = arith.addi %mul3A_211, %add3A_213 : vector<16xi32>
        %gather3A_215 = tpu.vector_load_idx %arg5[%add3A_214] : memref<2176xi32, #tpu.memory_space<vmem>>[vector<16xi32>], vector<16xi32>,
        %gt3A_216 = arith.constant 0 : i32
        %gt3A_217 = vector.broadcast %gt3A_216 : i32 to vector<16xi32>
        %gt3A_218 = arith.cmpi sgt, %gather3A_215, %gt3A_217 : vector<16xi32>
        %and3A = arith.andi %gt3A_218, %lt3A_103 : vector<16xi1>
        %jit3A_219 = arith.constant 0.000000e+00 : f32
        %broadcast_in_dim3A_220 = vector.broadcast %jit3A_219 : f32 to vector<16xf32>
        %select_n3A_221 = arith.select %and3A, %gather3A, %broadcast_in_dim3A_220 : vector<16xi1>, vector<16xf32>
        %add3A_222 = arith.addf %scan3A_198, %select_n3A_221 : vector<16xf32>
        %mul3A_223 = arith.mulf %gather3A, %gather3A : vector<16xf32>
        %jit3A_224 = arith.constant 0.000000e+00 : f32
        %broadcast_in_dim3A_225 = vector.broadcast %jit3A_224 : f32 to vector<16xf32>
        %select_n3A_226 = arith.select %and3A, %mul3A_223, %broadcast_in_dim3A_225 : vector<16xi1>, vector<16xf32>
        %add3A_227 = arith.addf %scan3A_199, %select_n3A_226 : vector<16xf32>
        %jit3A_228 = arith.constant 1.000000e+00 : f32
        %jit3A_229 = arith.constant 0.000000e+00 : f32
        %broadcast_in_dim3A_230 = vector.broadcast %jit3A_228 : f32 to vector<16xf32>
        %broadcast_in_dim3A_231 = vector.broadcast %jit3A_229 : f32 to vector<16xf32>
        %select_n3A_232 = arith.select %and3A, %broadcast_in_dim3A_230, %broadcast_in_dim3A_231 : vector<16xi1>, vector<16xf32>
        %add3A_233 = arith.addf %scan3A_200, %select_n3A_232 : vector<16xf32>
        scf.yield %add3A_222, %add3A_227, %add3A_233 : vector<16xf32>, vector<16xf32>, vector<16xf32>
      }
      %scan3A_112 = arith.constant 17 : i32
      %max3A_113 = arith.constant 1.000000e+00 : f32
      %max3A_114 = vector.broadcast %max3A_113 : f32 to vector<16xf32>
      %max3A_115 = arith.maximumf %scan3A_111#2, %max3A_114 : vector<16xf32>
      %div3A_116 = arith.divf %scan3A_111#0, %max3A_115 : vector<16xf32>
      %gt3A_117 = arith.constant 0.000000e+00 : f32
      %gt3A_118 = vector.broadcast %gt3A_117 : f32 to vector<16xf32>
      %gt3A_119 = arith.cmpf ogt, %scan3A_111#2, %gt3A_118 : vector<16xf32>
      %mul3A_120 = arith.mulf %div3A_116, %scan3A_111#0 : vector<16xf32>
      %sub3A_121 = arith.subf %scan3A_111#1, %mul3A_120 : vector<16xf32>
      %div3A_122 = arith.divf %sub3A_121, %max3A_115 : vector<16xf32>
      %jit3A_123 = arith.constant 0.000000e+00 : f32
      %broadcast_in_dim3A_124 = vector.broadcast %jit3A_123 : f32 to vector<16xf32>
      %select_n3A_125 = arith.select %gt3A_119, %div3A_122, %broadcast_in_dim3A_124 : vector<16xi1>, vector<16xf32>
      %add3A_126 = arith.addf %add3A_83, %select_n3A_125 : vector<16xf32>
      %jit3A_127 = arith.constant 1.000000e+00 : f32
      %jit3A_128 = arith.constant 0.000000e+00 : f32
      %broadcast_in_dim3A_129 = vector.broadcast %jit3A_127 : f32 to vector<16xf32>
      %broadcast_in_dim3A_130 = vector.broadcast %jit3A_128 : f32 to vector<16xf32>
      %select_n3A_131 = arith.select %gt3A_119, %broadcast_in_dim3A_129, %broadcast_in_dim3A_130 : vector<16xi1>, vector<16xf32>
      %add3A_132 = arith.addf %add3A_89, %select_n3A_131 : vector<16xf32>
      %swap3A_133 = arith.constant 16 : index
      %swap3A_134 = tpu.vector_load %arg8[%swap3A_133] {strides = array<i32>} : memref<32xf32, #tpu.memory_space<vmem>>, vector<16xf32>,
      tpu.vector_store %arg8[%swap3A_133], %div3A_116 {strides = array<i32>} : memref<32xf32, #tpu.memory_space<vmem>>, vector<16xf32>,
      %jit3A_135 = arith.constant 1.000000e+00 : f32
      %jit3A_136 = arith.constant 0.000000e+00 : f32
      %broadcast_in_dim3A_137 = vector.broadcast %jit3A_135 : f32 to vector<16xf32>
      %broadcast_in_dim3A_138 = vector.broadcast %jit3A_136 : f32 to vector<16xf32>
      %select_n3A_139 = arith.select %gt3A_119, %broadcast_in_dim3A_137, %broadcast_in_dim3A_138 : vector<16xi1>, vector<16xf32>
      %swap3A_140 = arith.constant 16 : index
      %swap3A_141 = tpu.vector_load %arg9[%swap3A_140] {strides = array<i32>} : memref<32xf32, #tpu.memory_space<vmem>>, vector<16xf32>,
      tpu.vector_store %arg9[%swap3A_140], %select_n3A_139 {strides = array<i32>} : memref<32xf32, #tpu.memory_space<vmem>>, vector<16xf32>,
      %scan3A_142 = arith.constant 0 : i32
      %scan3A_143 = arith.constant 29 : i32
      %scan3A_144 = arith.addi %scan3A_142, %scan3A_143 : i32
      %scan3A_145 = arith.constant 1 : i32
      %scan3A_146 = scf.for %scan3A_197 = %scan3A_142 to %scan3A_144 step %scan3A_145 iter_args(%scan3A_198 = %broadcast_in_dim3A_60) -> (vector<16xf32>)  : i32 {
        %mul3A_199 = arith.constant 1 : i32
        %mul3A_200 = arith.muli %scan3A_197, %mul3A_199 : i32
        %add3A_201 = arith.constant 1 : i32
        %add3A_202 = arith.addi %add3A_201, %mul3A_200 : i32
        %broadcast_in_dim3A_203 = vector.broadcast %add3A_202 : i32 to vector<16xi32>
        %gather3A = tpu.vector_load_idx %arg8[%broadcast_in_dim3A_203] : memref<32xf32, #tpu.memory_space<vmem>>[vector<16xi32>], vector<16xf32>,
        %gather3A_204 = tpu.vector_load_idx %arg9[%broadcast_in_dim3A_203] : memref<32xf32, #tpu.memory_space<vmem>>[vector<16xi32>], vector<16xf32>,
        %add3A_205 = arith.constant 0 : i32
        %add3A_206 = vector.broadcast %add3A_205 : i32 to vector<16xi32>
        %add3A_207 = arith.addi %iota3A, %add3A_206 : vector<16xi32>
        %get3A = arith.constant 0 : index
        %get3A_208 = tpu.vector_load %arg8[%get3A] {strides = array<i32>} : memref<32xf32, #tpu.memory_space<vmem>>, vector<16xf32>,
        %get3A_209 = arith.constant 0 : index
        %get3A_210 = tpu.vector_load %arg9[%get3A_209] {strides = array<i32>} : memref<32xf32, #tpu.memory_space<vmem>>, vector<16xf32>,
        %sub3A_211 = arith.subf %get3A_208, %gather3A : vector<16xf32>
        %sub3A_212 = arith.subf %get3A_208, %gather3A : vector<16xf32>
        %mul3A_213 = arith.mulf %sub3A_211, %sub3A_212 : vector<16xf32>
        %lt3A_214 = vector.broadcast %add3A_202 : i32 to vector<16xi32>
        %lt3A_215 = arith.cmpi slt, %add3A_207, %lt3A_214 : vector<16xi32>
        %ne3A = arith.constant 0.000000e+00 : f32
        %ne3A_216 = vector.broadcast %ne3A : f32 to vector<16xf32>
        %ne3A_217 = arith.cmpf one, %mul3A_213, %ne3A_216 : vector<16xf32>
        %and3A = arith.andi %lt3A_215, %ne3A_217 : vector<16xi1>
        %gt3A_218 = arith.constant 0.000000e+00 : f32
        %gt3A_219 = vector.broadcast %gt3A_218 : f32 to vector<16xf32>
        %gt3A_220 = arith.cmpf ogt, %get3A_210, %gt3A_219 : vector<16xf32>
        %and3A_221 = arith.andi %and3A, %gt3A_220 : vector<16xi1>
        %gt3A_222 = arith.constant 0.000000e+00 : f32
        %gt3A_223 = vector.broadcast %gt3A_222 : f32 to vector<16xf32>
        %gt3A_224 = arith.cmpf ogt, %gather3A_204, %gt3A_223 : vector<16xf32>
        %and3A_225 = arith.andi %and3A_221, %gt3A_224 : vector<16xi1>
        %neg3A = arith.constant 0.000000e+00 : f32
        %neg3A_226 = vector.broadcast %neg3A : f32 to vector<16xf32>
        %neg3A_227 = arith.subf %neg3A_226, %mul3A_213 : vector<16xf32>
        %exp3A = math.exp %neg3A_227 : vector<16xf32>
        %jit3A_228 = arith.constant 0.000000e+00 : f32
        %broadcast_in_dim3A_229 = vector.broadcast %jit3A_228 : f32 to vector<16xf32>
        %select_n3A_230 = arith.select %and3A_225, %exp3A, %broadcast_in_dim3A_229 : vector<16xi1>, vector<16xf32>
        %add3A_231 = arith.addf %scan3A_198, %select_n3A_230 : vector<16xf32>
        %add3A_232 = arith.constant 16 : i32
        %add3A_233 = vector.broadcast %add3A_232 : i32 to vector<16xi32>
        %add3A_234 = arith.addi %iota3A, %add3A_233 : vector<16xi32>
        %get3A_235 = arith.constant 16 : index
        %get3A_236 = tpu.vector_load %arg8[%get3A_235] {strides = array<i32>} : memref<32xf32, #tpu.memory_space<vmem>>, vector<16xf32>,
        %get3A_237 = arith.constant 16 : index
        %get3A_238 = tpu.vector_load %arg9[%get3A_237] {strides = array<i32>} : memref<32xf32, #tpu.memory_space<vmem>>, vector<16xf32>,
        %sub3A_239 = arith.subf %get3A_236, %gather3A : vector<16xf32>
        %sub3A_240 = arith.subf %get3A_236, %gather3A : vector<16xf32>
        %mul3A_241 = arith.mulf %sub3A_239, %sub3A_240 : vector<16xf32>
        %lt3A_242 = vector.broadcast %add3A_202 : i32 to vector<16xi32>
        %lt3A_243 = arith.cmpi slt, %add3A_234, %lt3A_242 : vector<16xi32>
        %ne3A_244 = arith.constant 0.000000e+00 : f32
        %ne3A_245 = vector.broadcast %ne3A_244 : f32 to vector<16xf32>
        %ne3A_246 = arith.cmpf one, %mul3A_241, %ne3A_245 : vector<16xf32>
        %and3A_247 = arith.andi %lt3A_243, %ne3A_246 : vector<16xi1>
        %gt3A_248 = arith.constant 0.000000e+00 : f32
        %gt3A_249 = vector.broadcast %gt3A_248 : f32 to vector<16xf32>
        %gt3A_250 = arith.cmpf ogt, %get3A_238, %gt3A_249 : vector<16xf32>
        %and3A_251 = arith.andi %and3A_247, %gt3A_250 : vector<16xi1>
        %gt3A_252 = arith.constant 0.000000e+00 : f32
        %gt3A_253 = vector.broadcast %gt3A_252 : f32 to vector<16xf32>
        %gt3A_254 = arith.cmpf ogt, %gather3A_204, %gt3A_253 : vector<16xf32>
        %and3A_255 = arith.andi %and3A_251, %gt3A_254 : vector<16xi1>
        %neg3A_256 = arith.constant 0.000000e+00 : f32
        %neg3A_257 = vector.broadcast %neg3A_256 : f32 to vector<16xf32>
        %neg3A_258 = arith.subf %neg3A_257, %mul3A_241 : vector<16xf32>
        %exp3A_259 = math.exp %neg3A_258 : vector<16xf32>
        %jit3A_260 = arith.constant 0.000000e+00 : f32
        %broadcast_in_dim3A_261 = vector.broadcast %jit3A_260 : f32 to vector<16xf32>
        %select_n3A_262 = arith.select %and3A_255, %exp3A_259, %broadcast_in_dim3A_261 : vector<16xi1>, vector<16xf32>
        %add3A_263 = arith.addf %add3A_231, %select_n3A_262 : vector<16xf32>
        scf.yield %add3A_263 : vector<16xf32>
      }
      %scan3A_147 = arith.constant 29 : i32
      %reduce_sum3A = arith.constant true
      %reduce_sum3A_148 = vector.broadcast %reduce_sum3A : i1 to vector<16xi1>
      %reduce_sum3A_149 = tpu.scan <sum>, %add3A_126 masked %reduce_sum3A_148 : vector<16xf32>, vector<16xi1> -> vector<16xf32>
      %reduce_sum3A_150 = vector.extract %reduce_sum3A_149[15] : f32 from vector<16xf32>
      %broadcast_in_dim3A_151 = vector.broadcast %reduce_sum3A_150 : f32 to vector<16xf32>
      %reduce_sum3A_152 = arith.constant true
      %reduce_sum3A_153 = vector.broadcast %reduce_sum3A_152 : i1 to vector<16xi1>
      %reduce_sum3A_154 = tpu.scan <sum>, %scan3A_146 masked %reduce_sum3A_153 : vector<16xf32>, vector<16xi1> -> vector<16xf32>
      %reduce_sum3A_155 = vector.extract %reduce_sum3A_154[15] : f32 from vector<16xf32>
      %broadcast_in_dim3A_156 = vector.broadcast %reduce_sum3A_155 : f32 to vector<16xf32>
      %reduce_sum3A_157 = arith.constant true
      %reduce_sum3A_158 = vector.broadcast %reduce_sum3A_157 : i1 to vector<16xi1>
      %reduce_sum3A_159 = tpu.scan <sum>, %add3A_132 masked %reduce_sum3A_158 : vector<16xf32>, vector<16xi1> -> vector<16xf32>
      %reduce_sum3A_160 = vector.extract %reduce_sum3A_159[15] : f32 from vector<16xf32>
      %broadcast_in_dim3A_161 = vector.broadcast %reduce_sum3A_160 : f32 to vector<16xf32>
      %gt3A_162 = arith.constant 0.000000e+00 : f32
      %gt3A_163 = vector.broadcast %gt3A_162 : f32 to vector<16xf32>
      %gt3A_164 = arith.cmpf ogt, %broadcast_in_dim3A_161, %gt3A_163 : vector<16xf32>
      %sub3A_165 = arith.constant 1.000000e+00 : f32
      %sub3A_166 = vector.broadcast %sub3A_165 : f32 to vector<16xf32>
      %sub3A_167 = arith.subf %broadcast_in_dim3A_161, %sub3A_166 : vector<16xf32>
      %mul3A_168 = arith.mulf %sub3A_167, %broadcast_in_dim3A_161 : vector<16xf32>
      %add3A_169 = arith.constant 9.99999997E-7 : f32
      %add3A_170 = vector.broadcast %add3A_169 : f32 to vector<16xf32>
      %add3A_171 = arith.addf %mul3A_168, %add3A_170 : vector<16xf32>
      %div3A_172 = arith.divf %broadcast_in_dim3A_156, %add3A_171 : vector<16xf32>
      %jit3A_173 = arith.constant 0.000000e+00 : f32
      %broadcast_in_dim3A_174 = vector.broadcast %jit3A_173 : f32 to vector<16xf32>
      %select_n3A_175 = arith.select %gt3A_164, %div3A_172, %broadcast_in_dim3A_174 : vector<16xi1>, vector<16xf32>
      %gt3A_176 = arith.constant 0.000000e+00 : f32
      %gt3A_177 = vector.broadcast %gt3A_176 : f32 to vector<16xf32>
      %gt3A_178 = arith.cmpf ogt, %broadcast_in_dim3A_161, %gt3A_177 : vector<16xf32>
      %add3A_179 = arith.constant 9.99999997E-7 : f32
      %add3A_180 = vector.broadcast %add3A_179 : f32 to vector<16xf32>
      %add3A_181 = arith.addf %broadcast_in_dim3A_161, %add3A_180 : vector<16xf32>
      %div3A_182 = arith.divf %broadcast_in_dim3A_151, %add3A_181 : vector<16xf32>
      %jit3A_183 = arith.constant 0.000000e+00 : f32
      %broadcast_in_dim3A_184 = vector.broadcast %jit3A_183 : f32 to vector<16xf32>
      %select_n3A_185 = arith.select %gt3A_178, %div3A_182, %broadcast_in_dim3A_184 : vector<16xi1>, vector<16xf32>
      %eq3A = arith.constant 0 : i32
      %eq3A_186 = vector.broadcast %eq3A : i32 to vector<16xi32>
      %eq3A_187 = arith.cmpi eq, %iota3A, %eq3A_186 : vector<16xi32>
      %eq3A_188 = arith.constant 1 : i32
      %eq3A_189 = vector.broadcast %eq3A_188 : i32 to vector<16xi32>
      %eq3A_190 = arith.cmpi eq, %iota3A, %eq3A_189 : vector<16xi32>
      %jit3A_191 = arith.constant 0.000000e+00 : f32
      %broadcast_in_dim3A_192 = vector.broadcast %jit3A_191 : f32 to vector<16xf32>
      %select_n3A_193 = arith.select %eq3A_190, %select_n3A_185, %broadcast_in_dim3A_192 : vector<16xi1>, vector<16xf32>
      %select_n3A_194 = arith.select %eq3A_187, %select_n3A_175, %select_n3A_193 : vector<16xi1>, vector<16xf32>
      %swap3A_195 = arith.constant 0 : index
      %swap3A_196 = tpu.vector_load %arg10[%swap3A_195] {strides = array<i32>} : memref<16xf32, #tpu.memory_space<vmem>>, vector<16xf32>,
      tpu.vector_store %arg10[%swap3A_195], %select_n3A_194 {strides = array<i32>} : memref<16xf32, #tpu.memory_space<vmem>>, vector<16xf32>,
      "tpu.region"() ({
        %run_scoped3A = tpu.sem_alloc : memref<!tpu.dma_semaphore, #tpu.memory_space<semaphore_mem>>
        %dma_start3A_197 = arith.constant 0 : i32
        %dma_start3A_198 = tpu.memref_slice %arg4[%add3A, %dma_start3A_197] : memref<16x16xf32, #tpu.memory_space<hbm>> -> memref<1x16xf32, #tpu.memory_space<hbm>>
        %dma_start3A_199 = tpu.memref_squeeze %dma_start3A_198 : memref<1x16xf32, #tpu.memory_space<hbm>> -> memref<16xf32, #tpu.memory_space<hbm>>
        %dma_start3A_200 = arith.constant 0 : i32
        %dma_start3A_201 = tpu.memref_slice %arg4[%add3A, %dma_start3A_200] : memref<16x16xf32, #tpu.memory_space<hbm>> -> memref<1x16xf32, #tpu.memory_space<hbm>>
        %dma_start3A_202 = tpu.memref_squeeze %dma_start3A_201 : memref<1x16xf32, #tpu.memory_space<hbm>> -> memref<16xf32, #tpu.memory_space<hbm>>
        tpu.enqueue_dma source(%arg10 : memref<16xf32, #tpu.memory_space<vmem>>) target(%dma_start3A_202 : memref<16xf32, #tpu.memory_space<hbm>>) target_semaphore(%run_scoped3A : memref<!tpu.dma_semaphore, #tpu.memory_space<semaphore_mem>>)
        %dma_wait3A_203 = arith.constant 0 : i32
        %dma_wait3A_204 = tpu.memref_slice %arg4[%add3A, %dma_wait3A_203] : memref<16x16xf32, #tpu.memory_space<hbm>> -> memref<1x16xf32, #tpu.memory_space<hbm>>
        %dma_wait3A_205 = tpu.memref_squeeze %dma_wait3A_204 : memref<1x16xf32, #tpu.memory_space<hbm>> -> memref<16xf32, #tpu.memory_space<hbm>>
        %dma_wait3A_206 = arith.constant 0 : i32
        %dma_wait3A_207 = tpu.memref_slice %arg4[%add3A, %dma_wait3A_206] : memref<16x16xf32, #tpu.memory_space<hbm>> -> memref<1x16xf32, #tpu.memory_space<hbm>>
        %dma_wait3A_208 = tpu.memref_squeeze %dma_wait3A_207 : memref<1x16xf32, #tpu.memory_space<hbm>> -> memref<16xf32, #tpu.memory_space<hbm>>
        tpu.wait_dma2 semaphore(%run_scoped3A : memref<!tpu.dma_semaphore, #tpu.memory_space<semaphore_mem>>) src(%arg10 : memref<16xf32, #tpu.memory_space<vmem>>) dst(%dma_wait3A_208 : memref<16xf32, #tpu.memory_space<hbm>>)
        tpu.yield
      }) : () -> ()
    } else {
    }
    return
  }
}

</mosaic_0001>

<sc_bundles>
// kernel: kernel.3.cloned.1.call-start
scs
__scs_entry_jumppad:
0x0: {  	(pc) =	sbr.rel $0x88, $3  }
0x1: {  	(tag) =	ssettag $0x0;
	lr =	simm.s32 $0x1  }
0x2: {  	[smem:$0x3F9F] =	sst lr;
	_ =	strace $0xD0000000  }
0x3: {  	_ = 	snop  }
0x4: {  	_ = 	snop  }
0x5: {  	_ = 	snop  }
0x6: {  	_ = 	snop  }
0x7: {  	_ = 	snop  }
__scs_overlays_trampoline_lowered:
0x8: {  	[smem:$0x3FAE] =	sst s0  }
0x9: {  	[smem:$0x3FAF] =	sst s1  }
0xa: {  	[smem:$0x3FB0] =	sst s2  }
0xb: {  	[smem:$0x3FB1] =	sst s3  }
0xc: {  	[smem:$0x3FB2] =	sst s4  }
0xd: {  	[smem:$0x3FB3] =	sst s5  }
0xe: {  	[smem:$0x3FB4] =	sst s6  }
0xf: {  	[smem:$0x3FB5] =	sst s7  }
0x10: {  	[smem:$0x3FB6] =	sst s8  }
0x11: {  	[smem:$0x3FB7] =	sst s9;
	s0 =	simm.s32 @!p0 $0x0  }
0x12: {  	s1 =	sld [smem:$0x3F9D];
	s0 =	simm.s32 @p0 $0x1  }
0x13: {  	[smem:$0x3FB8] =	sst s0;
	s0 =	simm.s32 @!p1 $0x0  }
0x14: {  	s2 =	sld [smem:$0x3F9C];
	s0 =	simm.s32 @p1 $0x1  }
0x15: {  	[smem:$0x3FB9] =	sst s0;
	s0 =	simm.s32 @!p2 $0x0  }
0x16: {  	s3 =	sld [smem:$0x3FDB];
	s0 =	simm.s32 @p2 $0x1  }
0x17: {  	s4 =	simm.s32 $0x1BF5;
	[smem:$0x3FBB] =	sst s0  }
0x18: {  	s0 =	sld [smem:$0x3F9E];
	_ =	swait.ge [sflag:s4], $0x0  }
0x19: {  	s7 =	sld [smem:$0x3F9F]  }
0x1a: {  	s8 =	sadd.s32 $0xFFFFE003, lr  }
0x1b: {  	s9 =	sadd.s32 $0xFFFFFEF7, lr;
	s5 =	simm.s32 $0xFFFFFFFF;
	p2 =	slt.u32 s8, $0xFFFFF086  }
0x1c: {  	p1 =	slt.u32 s9, $0xF7A;
	s5 =	simm.s32 @!p2 $0x0  }
0x1d: {  	s5 =	simm.s32 @p1 $0x1;
	p0 =	seq.s32 s7, s2  }
0x1e: {  	s7 =	smul.u32 @!p0 $0xF7A, s2;
	p2 =	seq.s32 @!p0 s5, $0x0  }
0x1f: {  	s9 =	smul.u32 $0xF7A, s1;
	s8 =	simm.s32 @!p0 $0x1BF5;
	p2 =	por !p2, p0  }
0x20: {  	[sflag:s8] =	ssyncset.s32 @!p0 $0xFFFFF086;
	s6 =	sadd.s32 @!p0 s3, s7;
	s7 =	simm.s32 @!p0 $0x108  }
0x21: {  	s3 =	sadd.s32 s3, s9;
	s6 =	sadd.s32 @!p0 $0x88, s6;
	s7 =	simm.s32 @p2 $0x1082  }
0x22: {  	[simem:s7], [sflag:s8] =	dma.local @!p0 [hbm:s6], $0xF7A  }
0x23: {  	s9 =	sor.u32 $0xD0000000, s2;
	s6 =	simm.s32 $0x108;
	_ =	swait.ge @!p0 [sflag:s8], $0x0  }
0x24: {  	s3 =	sadd.s32 $0x88, s3;
	s6 =	simm.s32 @!p1 $0x1082;
	[sflag:s4] =	ssyncset.s32 $0xFFFFF086  }
0x25: {  	[simem:s6], [sflag:s4] =	dma.local [hbm:s3], $0xF7A  }
0x26: {  	[smem:$0x3F9F] =	sst s1;
	(tag) =	ssettag s2;
	_ =	strace s9  }
0x27: {  	s1 =	sld [smem:$0x3FAF]  }
0x28: {  	s2 =	sld [smem:$0x3FB0]  }
0x29: {  	s4 =	sld [smem:$0x3FB2]  }
0x2a: {  	p0 =	seq.s32 s5, $0x0;
	s5 =	sld [smem:$0x3FB3]  }
0x2b: {  	s6 =	sld [smem:$0x3FB4]  }
0x2c: {  	s7 =	sld [smem:$0x3FB5]  }
0x2d: {  	s3 =	simm.s32 $0x108;
	s8 =	sld [smem:$0x3FB6]  }
0x2e: {  	s3 =	simm.s32 @!p0 $0x1082;
	s9 =	sld [smem:$0x3FB7]  }
0x2f: {  	lr =	sadd.s32 s0, s3;
	s0 =	sld [smem:$0x3FAE]  }
0x30: {  	s3 =	sld [smem:$0x3FB1]  }
0x31: {  	[smem:$0x3FBA] =	sst s10  }
0x32: {  	s10 =	sld [smem:$0x3FB8];
	_ =	sdelay $0x3  }
0x33: {  	p0 =	seq.s32 s10, $0x1;
	s10 =	sld [smem:$0x3FBA];
	_ =	sdelay $0x3  }
0x34: {  	[smem:$0x3FBA] =	sst s10  }
0x35: {  	s10 =	sld [smem:$0x3FB9];
	_ =	sdelay $0x3  }
0x36: {  	p1 =	seq.s32 s10, $0x1;
	s10 =	sld [smem:$0x3FBA];
	_ =	sdelay $0x3  }
0x37: {  	[smem:$0x3FBA] =	sst s10  }
0x38: {  	s10 =	sld [smem:$0x3FBB]  }
0x39: {  	_ = 	snop;
	(pc) =	sbr.ind lr, $3  }
0x3a: {  	_ = 	snop  }
0x3b: {  	_ = 	snop  }
0x3c: {  	p2 =	seq.s32 s10, $0x1;
	s10 =	sld [smem:$0x3FBA]  }
0x3d: {  	_ =	shalt  }
0x3e: {  	_ =	shalt  }
0x3f: {  	_ =	shalt  }
0x40: {  	_ =	shalt  }
0x41: {  	_ =	shalt  }
0x42: {  	_ =	shalt  }
0x43: {  	_ =	shalt  }
0x44: {  	_ =	shalt  }
0x45: {  	_ =	shalt  }
0x46: {  	_ =	shalt  }
0x47: {  	_ =	shalt  }
0x48: {  	_ =	shalt  }
0x49: {  	_ =	shalt  }
0x4a: {  	_ =	shalt  }
0x4b: {  	_ =	shalt  }
0x4c: {  	_ =	shalt  }
0x4d: {  	_ =	shalt  }
0x4e: {  	_ =	shalt  }
0x4f: {  	_ =	shalt  }
0x50: {  	_ =	shalt  }
0x51: {  	_ =	shalt  }
0x52: {  	_ =	shalt  }
0x53: {  	_ =	shalt  }
0x54: {  	_ =	shalt  }
0x55: {  	_ =	shalt  }
0x56: {  	_ =	shalt  }
0x57: {  	_ =	shalt  }
0x58: {  	_ =	shalt  }
0x59: {  	_ =	shalt  }
0x5a: {  	_ =	shalt  }
0x5b: {  	_ =	shalt  }
0x5c: {  	_ =	shalt  }
0x5d: {  	_ =	shalt  }
0x5e: {  	_ =	shalt  }
0x5f: {  	_ =	shalt  }
0x60: {  	_ =	shalt  }
0x61: {  	_ =	shalt  }
0x62: {  	_ =	shalt  }
0x63: {  	_ =	shalt  }
0x64: {  	_ =	shalt  }
0x65: {  	_ =	shalt  }
0x66: {  	_ =	shalt  }
0x67: {  	_ =	shalt  }
0x68: {  	_ =	shalt  }
0x69: {  	_ =	shalt  }
0x6a: {  	_ =	shalt  }
0x6b: {  	_ =	shalt  }
0x6c: {  	_ =	shalt  }
0x6d: {  	_ =	shalt  }
0x6e: {  	_ =	shalt  }
0x6f: {  	_ =	shalt  }
0x70: {  	_ =	shalt  }
0x71: {  	_ =	shalt  }
0x72: {  	_ =	shalt  }
0x73: {  	_ =	shalt  }
0x74: {  	_ =	shalt  }
0x75: {  	_ =	shalt  }
0x76: {  	_ =	shalt  }
0x77: {  	_ =	shalt  }
0x78: {  	_ =	shalt  }
0x79: {  	_ =	shalt  }
0x7a: {  	_ =	shalt  }
0x7b: {  	_ =	shalt  }
0x7c: {  	_ =	shalt  }
0x7d: {  	_ =	shalt  }
0x7e: {  	_ =	shalt  }
0x7f: {  	_ =	shalt  }
0x80: {  	_ =	shalt  }
0x81: {  	_ =	shalt  }
0x82: {  	_ =	shalt  }
0x83: {  	_ =	shalt  }
0x84: {  	_ =	shalt  }
0x85: {  	_ =	shalt  }
0x86: {  	_ =	shalt  }
0x87: {  	_ =	shalt  }
.Lfunc_end0:
.L_simem_size_0:
called_computation_lowered:
.L_overlay_start_0:
0x88: {  	s0 =	sld [smem:$0x3FD9]  }
0x89: {  	s1 =	sld [smem:$0x3FFE];
	_ =	sdelay $0x3  }
0x8a: {  	s0 =	sadd.s32 s1, s0  }
0x8b: {  	[smem:$0x3FC6] =	sst s0  }
0x8c: {  	_ = 	snop  }
0x8d: {  	s0 =	sld [smem:$0x3FC9];
	(tm) =	ssettm $0x1  }
0x8e: {  	s16 =	sld [smem:$0x3FFB];
	_ =	sdelay $0x3  }
0x8f: {  	_ =	strace s16  }
0x90: {  	s1 =	sld [smem:$0x3FFC];
	_ =	sdelay $0x3  }
0x91: {  	_ =	strace s1  }
0x92: {  	s1 =	sld [smem:$0x3FFD];
	_ =	sdelay $0x3  }
0x93: {  	_ =	strace s1  }
0x94: {  	_ =	strace $0x8FFFFFFF  }
0x95: {  	s17 =	sld [smem:$0x3FDB];
	_ =	sdelay $0x1  }
0x96: {  	s2 =	simm.s32 $_scs_section_size  }
0x97: {  	s3 =	simm.s32 $_size__tile_overlayer_lowered;
	s4 =	simm.s32 $_tile_overlayer_lowered  }
0x98: {  	s20 =	simm.s32 $0x1BFF;
	s19 =	sshll.u32 s4, $0x1;
	s1 =	sadd.s32 s2, s17  }
0x99: {  	s5 =	simm.s32 $0x0;
	s18 =	sshll.u32 s3, $0x1;
	s3 =	sadd.s32 s19, s1  }
0x9a: {  	[timem:s5], [sflag:s20] =	dma.local [hbm:s3], s18  }
0x9b: {  	_ =	swait.ge [sflag:s20], s18  }
0x9c: {  	s2 =	ssub.s32 $0x0, s18;
	[sflag:s20] =	ssyncset.done $0x0  }
0x9d: {  	[sflag:s20] =	ssyncadd.s32 s2;
	_ =	sdelay $0x1  }
0x9e: {  	s21 =	simm.s32 $0x1B8B  }
0x9f: {  	_ =	swait.ge [sflag:s21], $0x1  }
0xa0: {  	[sflag:s21] =	ssyncset.done $0x0  }
0xa1: {  	s23 =	simm.s32 $0x1B8E;
	s22 =	sld [smem:$0x3FFE];
	[sflag:s21] =	ssyncadd.s32 $0xFFFFFFFF  }
0xa2: {  	s24 =	simm.s32 $execute0_lowered;
	[smem:$0x3FD2] =	sst s23  }
0xa3: {  	s3 =	sshll.u32 s24, $0x1;
	_ =	strace $0x80000046;
	[dreg:$0x1] =	wrdreg $0xFFFFFFFF  }
0xa4: {  	s25 =	simm.s32 $_size_execute0_lowered;
	s1 =	sadd.s32 s1, s3;
	[dreg:$0x0] =	wrdreg $0x0  }
0xa5: {  	s3 =	sshll.u32 s25, $0x1;
	[dreg:$0x2] =	wrdreg s1  }
0xa6: {  	[dreg:$0x3] =	wrdreg s3  }
0xa7: {  	[dreg:$0x4] =	wrdreg $0xC0  }
0xa8: {  	_ =	task [dreg:s5], $0x5FFFF  }
0xa9: {  	[dreg:$0x1] =	wrdreg $0xFFFFFFFF  }
0xaa: {  	[dreg:$0x0] =	wrdreg $0x60  }
0xab: {  	[dreg:$0x2] =	wrdreg s0  }
0xac: {  	[dreg:$0x3] =	wrdreg s22  }
0xad: {  	[dreg:$0x4] =	wrdreg $0x9  }
0xae: {  	_ =	task.clear_ibuf [dreg:s5], $0x5FFFF;
	_ =	strace $0x90000046  }
0xaf: {  	s26 =	simm.s32 $0x9;
	_ =	strace $0x80000048  }
0xb0: {  	_ =	swait.ge [sflag:s26], $0x1  }
0xb1: {  	[sflag:s26] =	ssyncadd.s32 $0xFFFFFFFF  }
0xb2: {  	_ =	strace $0x90000048  }
0xb3: {  	_ =	sfence  }
0xb4: {  	s28 =	sld [smem:$0x0];
	_ =	sdelay $0x1  }
0xb5: {  	s29 =	srdreg.scid  }
0xb6: {  	s30 =	sshll.u32 s29, $0xD;
	s31 =	sshrl.u32 s29, $0x2  }
0xb7: {  	s2 =	sand.u32 $0x4000, s30;
	s1 =	sand.u32 $0x1, s29;
	s0 =	sadd.s32 s31, s28  }
0xb8: {  	s1 =	sor.u32 s2, s1;
	s0 =	sshll.u32 s0, $0x11  }
0xb9: {  	s0 =	sor.u32 s0, s1  }
0xba: {  	s0 =	sadd.s32 $0x8F2B, s0  }
0xbb: {  	[sflag:s0] =	ssyncadd.remote.s32 $0x1  }
0xbc: {  	_ =	sfence.sel $0xFFFF  }
0xbd: {  	[dreg:$0x0] =	wrdreg $0xFFFFFFFF;
	(pc) =	sbr.abs _section_cstart, $3  }
0xbe: {  	[dreg:$0x1] =	wrdreg $0xFFFFFFFF  }
0xbf: {  	_ =	task.clear_ibuf [dreg:s5], $0x2FFFF;
	_ =	strace $0x9FFFFFFF  }
0xc0: {  	(tm) =	ssettm $0x7FFFFFFF  }
0xc1: {  	_ =	shalt  }
tec
execute0_lowered:
.L_overlay_start_1:
0x0: {  	(tag) =	ssettag $0x1  }
0x1: {  	s0 =	stileid.u32  }
0x2: {  	s2 =	sshrl.u32 s0, $0x3  }
0x3: {  	s1 =	sshll.u32 s0, $0x7;
	s4 =	smul.u32 $0x4400, s2  }
0x4: {  	s5 =	rddreg [dreg:$0x0];
	s6 =	simm.s32 $0x0;
	v0 =	vlaneseq.u32;
	s3 =	sand.u32 $0x380, s1  }
0x5: {  	s8 =	rddreg [dreg:$0x1];
	v0 =	vmul.u32 $0x2, v0;
	v1 =	vmov s6;
	s4 =	sor.u32 s3, s4  }
0x6: {  	s7 =	simm.s32 $0x80;
	s9 =	simm.s32 $0x400;
	v1 =	vshll.u32 v1, $0x1;
	s4 =	sshrl.u32 s4, $0x3  }
0x7: {  	s28 =	simm.s32 $0x2;
	[smem:$0x7FF] =	sst s6;
	v1 =	vor.u32 v0, v1;
	s4 =	sadd.s32 s4, s8  }
0x8: {  	s1 =	rddreg [dreg:$0x2];
	_ =	strace $0x80000047;
	v1 =	vmin.u32 v1, $0x3FA;
	s4 =	sadd.s32 $0x400, s4  }
0x9: {  	[tilespmem:s6], [sflag:$0x2] =	stream.strided.gather [hbm4b:s4+s7], $0x880, s9, s7, $0x38;
	[tilespmem:$0xE80] =	vst v63  }
0xa: {  	_ =	swait.ge [sflag:s28], $0x880  }
0xb: {  	s29 =	simm.s32 $0x10;
	[sflag:s28] =	ssyncset.done $0x0  }
0xc: {  	v2 =	vmov s29;
	[sflag:s28] =	ssyncadd.s32 $0xFFFFF780  }
0xd: {  	v3 =	vld.idx.msk [tilespmem:v1+s6+$0x0], $0xffff;
	v1 =	vshll.u32 v2, $0x1  }
0xe: {  	v1 =	vor.u32 v0, v1  }
0xf: {  	s30 =	smul.u32 $0x44000, s0;
	v2 =	vmin.u32 v1, $0x3FA;
	_ =	sdelay $0x1  }
0x10: {  	v1 =	vmov s30  }
0x11: {  	s7 =	simm.s32 $0x880;
	v3 =	vadd.s32 v1, v3  }
0x12: {  	s31 =	simm.s32 $0x20;
	[tilespmem:s7+$0x0] =	vst v3  }
0x13: {  	s4 =	sadd.s32 $0x1600, s8;
	s8 =	simm.s32 $0x30;
	v3 =	vmov s31;
	v2 =	vld.idx.msk [tilespmem:v2+s6+$0x0], $0xffff  }
.LBB2_1:
0x14: {  	p0 =	sne.s32 s8, $0x1F0;
	v3 =	vshll.u32 v3, $0x1  }
0x15: {  	v3 =	vor.u32 v0, v3  }
0x16: {  	v4 =	vmin.u32 v3, $0x3FA  }
.Ltmp0:
0x17: {  	(pc) =	sbr.rel @p0 .LBB2_1-.Ltmp0, $4  }
0x18: {  	_ = 	snop  }
0x19: {  	s7 =	sadd.s32 $0x10, s7;
	v2 =	vadd.s32 v1, v2  }
0x1a: {  	[tilespmem:s7+$0x0] =	vst v2  }
0x1b: {  	v3 =	vmov s8;
	s8 =	sadd.s32 $0x10, s8;
	v2 =	vld.idx.msk [tilespmem:v4+s6+$0x0], $0xffff  }
0x1c: {  	v3 =	vshll.u32 v3, $0x1  }
0x1d: {  	v0 =	vor.u32 v0, v3  }
0x1e: {  	v0 =	vmin.u32 v0, $0x3FA;
	_ =	sdelay $0x2  }
0x1f: {  	s7 =	sadd.s32 $0x10, s7;
	v2 =	vadd.s32 v1, v2  }
0x20: {  	[tilespmem:s7+$0x0] =	vst v2  }
0x21: {  	v0 =	vld.idx.msk [tilespmem:v0+s6+$0x0], $0xffff;
	_ =	sdelay $0x4  }
0x22: {  	s22 =	sadd.s32 $0x10, s7;
	v0 =	vadd.s32 v1, v0  }
0x23: {  	s23 =	simm.s32 $0x80;
	s8 =	simm.s32 $0x880;
	s6 =	simm.s32 $0xA80;
	[tilespmem:s22+$0x0] =	vst v0  }
0x24: {  	[tilespmem:s6], [sflag:$0x1] =	stream.indirect.gather [hbm4b:s5+s23], $0x1, s8, s23, $0xb8;
	[tilespmem:$0xE80] =	vst v63  }
0x25: {  	s24 =	simm.s32 $0x900;
	s9 =	simm.s32 $0xB00  }
0x26: {  	[tilespmem:s9], [sflag:$0x1] =	stream.indirect.gather [hbm4b:s5+s23], $0x1, s24, s23, $0xb8;
	[tilespmem:$0xE80] =	vst v63  }
0x27: {  	s25 =	simm.s32 $0x980;
	s26 =	simm.s32 $0xB80  }
0x28: {  	[tilespmem:s26], [sflag:$0x1] =	stream.indirect.gather [hbm4b:s5+s23], $0x1, s25, s23, $0xb8;
	[tilespmem:$0xE80] =	vst v63  }
0x29: {  	s28 =	simm.s32 $0xA00;
	s29 =	simm.s32 $0xC00;
	s30 =	simm.s32 $0x1  }
0x2a: {  	[tilespmem:s29], [sflag:$0x1] =	stream.indirect.gather [hbm4b:s5+s23], $0x1, s28, s23, $0xb8;
	[tilespmem:$0xE80] =	vst v63  }
0x2b: {  	_ =	swait.ge [sflag:s30], $0x80  }
0x2c: {  	[sflag:s30] =	ssyncset.done $0x0  }
0x2d: {  	[sflag:s30] =	ssyncadd.s32 $0xFFFFFF80  }
0x2e: {  	_ =	swait.ge [sflag:s30], $0x80  }
0x2f: {  	v0 =	vlaneseq.u32;
	[sflag:s30] =	ssyncset.done $0x0  }
0x30: {  	v1 =	vmul.u32 $0x11, v0;
	[sflag:s30] =	ssyncadd.s32 $0xFFFFFF80  }
0x31: {  	s5 =	simm.s32 $0x0;
	_ =	swait.ge [sflag:s30], $0x80  }
0x32: {  	v0 =	vadd.s32 s5, v1;
	[sflag:s30] =	ssyncset.done $0x0  }
0x33: {  	v2 =	vshll.u32 v0, $0x1;
	[sflag:s30] =	ssyncadd.s32 $0xFFFFFF80  }
0x34: {  	v2 =	vor.u32 $0x1, v2;
	_ =	swait.ge [sflag:s30], $0x80  }
0x35: {  	[sflag:s30] =	ssyncset.done $0x0  }
0x36: {  	s31 =	simm.s32 $0x1;
	[sflag:s30] =	ssyncadd.s32 $0xFFFFFF80  }
0x37: {  	v6 =	vld.idx.msk [tilespmem:v0+s6+$0x0], $0xffff;
	v0 =	vadd.s32 s31, v1  }
0x38: {  	v3 =	vshll.u32 v0, $0x1  }
0x39: {  	v7 =	vld.idx.msk [tilespmem:v2+s5+$0x0], $0xffff;
	v8 =	vor.u32 $0x1, v3;
	_ =	sdelay $0x1  }
0x3a: {  	v5 =	vimm.f32 $0.0e+00;
	v9 =	vimm.f32 $0.0e+00  }
0x3b: {  	s7 =	simm.s32 $0x2;
	v2 =	vimm.f32 $0.0e+00;
	v4 =	vmul.f32 v6, v6;
	v3 =	vld.idx.msk [tilespmem:v0+s6+$0x0], $0xffff;
	v0 =	vimm.f32 $0.0e+00  }
.LBB2_3:
0x3c: {  	v10 =	vadd.s32 s7, v1;
	p0 =	sne.s32 s7, $0x10;
	s7 =	sadd.s32 $0x1, s7  }
.Ltmp1:
0x3d: {  	vm0 =	vgt.s32 v7, $0x0;
	v11 =	vshll.u32 v10, $0x1;
	v7 =	vld.idx.msk [tilespmem:v8+s5+$0x0], $0xffff;
	(pc) =	sbr.rel @p0 .LBB2_3-.Ltmp1, $4  }
0x3e: {  	v6 =	vnsel vm0, $0x0, v6;
	v8 =	vor.u32 $0x1, v11;
	v11 =	vsel vm0, $0x3F800000, v5  }
0x3f: {  	v4 =	vnsel vm0, $0x0, v4;
	v2 =	vadd.f32 v6, v2;
	v9 =	vadd.f32 v11, v9  }
0x40: {  	v0 =	vadd.f32 v4, v0  }
0x41: {  	v4 =	vmul.f32 v3, v3;
	v6 =	vmov v3;
	v3 =	vld.idx.msk [tilespmem:v10+s6+$0x0], $0xffff  }
0x42: {  	_ =	sdelay $0x3  }
0x43: {  	v1 =	vld.idx.msk [tilespmem:v8+s5+$0x0], $0xffff;
	_ =	sdelay $0x2  }
0x44: {  	vm0 =	vgt.s32 v7, $0x0  }
0x45: {  	v7 =	vsel vm0, $0x3F800000, v5  }
0x46: {  	v7 =	vadd.f32 v7, v9;
	vm1 =	vgt.s32 v1, $0x0  }
0x47: {  	v1 =	vsel vm1, $0x3F800000, v5  }
0x48: {  	v7 =	vadd.f32 v1, v7;
	_ =	sdelay $0x1  }
0x49: {  	v1 =	vmax.f32 v7, $1.000000000e+00  }
0x4a: {  	(erf) = vrcp.f32 v1;
	_ =	sdelay $0x2  }
0x4b: {  	v1 =	vlaneseq.u32  }
0x4c: {  	v1 =	vmul.u32 $0x11, v1  }
0x4d: {  	v5 =	vnsel vm0, $0x0, v6  }
0x4e: {  	s5 =	simm.s32 $0x0;
	v2 =	vadd.f32 v5, v2;
	v5 =	vadd.s32 $0x110, v1  }
0x4f: {  	v4 =	vnsel vm0, $0x0, v4;
	v6 =	vnsel vm1, $0x0, v3;
	v8 =	vadd.s32 s5, v5  }
0x50: {  	v4 =	vadd.f32 v4, v0;
	v2 =	vadd.f32 v6, v2;
	v6 =	vshll.u32 v8, $0x1  }
0x51: {  	vm0 =	vgt.f32 v7, $0.0e+00;
	v12 =	vor.u32 $0x1, v6;
	v6 =	vimm.f32 $0.0e+00;
	v1 =	vpop (erf)  }
0x52: {  	v9 =	vmul.f32 v3, v3;
	v0 =	vsel vm0, $0x3F800000, v6;
	v3 =	vmul.f32 v1, v2  }
0x53: {  	[tilespmem:$0xD80] =	vst v0  }
0x54: {  	s7 =	simm.s32 $0x1;
	s6 =	simm.s32 $0xA80;
	v7 =	vnsel vm1, $0x0, v9;
	[tilespmem:$0xD00] =	vst v3  }
0x55: {  	v4 =	vadd.f32 v7, v4;
	v7 =	vadd.s32 s7, v5;
	v10 =	vld.idx.msk [tilespmem:v8+s6+$0x0], $0xffff  }
0x56: {  	v8 =	vshll.u32 v7, $0x1  }
0x57: {  	v12 =	vld.idx.msk [tilespmem:v12+s5+$0x0], $0xffff;
	v13 =	vor.u32 $0x1, v8  }
0x58: {  	vm2 =	vcmask $0x3700;
	vm1 =	vmmov $0x3fff  }
0x59: {  	v9 =	vimm.f32 $0.0e+00;
	s7 =	simm.s32 $0x2;
	v11 =	vsel vm2, $0x3F800000, v6;
	v8 =	vimm.f32 $0.0e+00  }
.LBB2_5:
0x5a: {  	v14 =	vmov v10;
	p0 =	sne.s32 s7, $0x10  }
.Ltmp2:
0x5b: {  	v15 =	vmov v10;
	v10 =	vld.idx.msk [tilespmem:v7+s6+$0x0], $0xffff;
	v7 =	vadd.s32 s7, v5;
	s7 =	sadd.s32 $0x1, s7;
	(pc) =	sbr.rel @p0 .LBB2_5-.Ltmp2, $4  }
0x5c: {  	vm2 =	vgt.s32 v12, $0x0;
	v14 =	vmul.f32 v14, v15;
	v16 =	vshll.u32 v7, $0x1;
	v12 =	vld.idx.msk [tilespmem:v13+s5+$0x0], $0xffff  }
0x5d: {  	vm3 =	vmand vm2, vm1;
	v13 =	vor.u32 $0x1, v16;
	v16 =	vnsel vm2, $0x0, v11  }
0x5e: {  	v15 =	vnsel vm3, $0x0, v15;
	v14 =	vnsel vm3, $0x0, v14;
	v6 =	vadd.f32 v16, v6  }
0x5f: {  	v8 =	vadd.f32 v15, v8;
	v9 =	vadd.f32 v14, v9  }
0x60: {  	_ =	sdelay $0x3  }
0x61: {  	v5 =	vld.idx.msk [tilespmem:v13+s5+$0x0], $0xffff;
	_ =	sdelay $0x2  }
0x62: {  	vm2 =	vgt.s32 v12, $0x0  }
0x63: {  	v12 =	vnsel vm2, $0x0, v11  }
0x64: {  	v6 =	vadd.f32 v12, v6;
	vm3 =	vgt.s32 v5, $0x0  }
0x65: {  	v5 =	vnsel vm3, $0x0, v11  }
0x66: {  	v5 =	vadd.f32 v5, v6;
	_ =	sdelay $0x1  }
0x67: {  	v6 =	vmax.f32 v5, $1.000000000e+00  }
0x68: {  	(erf) = vrcp.f32 v6;
	_ =	sdelay $0x1  }
0x69: {  	v11 =	vld.idx.msk [tilespmem:v7+s6+$0x0], $0xffff  }
0x6a: {  	vm2 =	vmand vm2, vm1  }
0x6b: {  	v6 =	vnsel vm2, $0x0, v10  }
0x6c: {  	v6 =	vadd.f32 v6, v8  }
0x6d: {  	vm3 =	vmand vm3, vm1  }
0x6e: {  	s30 =	simm.s32 $0x1;
	v7 =	vnsel vm3, $0x0, v11  }
0x6f: {  	v22 =	vmov s30;
	v7 =	vadd.f32 v7, v6  }
0x70: {  	v13 =	vimm.f32 $0.0e+00;
	vm1 =	vgt.f32 v5, $0.0e+00;
	v6 =	vpop (erf)  }
0x71: {  	v5 =	vsel vm1, $0x3F800000, v13;
	v8 =	vmul.f32 v6, v7  }
0x72: {  	[tilespmem:$0xD90] =	vst v5  }
0x73: {  	v14 =	vld [tilespmem:$0xD00];
	s6 =	simm.s32 $0xD00;
	[tilespmem:$0xD10] =	vst v8  }
0x74: {  	v15 =	vld.idx.msk [tilespmem:v22+s6+$0x0], $0xffff  }
0x75: {  	v16 =	vld [tilespmem:$0xD10];
	_ =	sdelay $0x3  }
0x76: {  	s31 =	simm.s32 $0x2;
	v14 =	vsub.f32 v14, v15  }
0x77: {  	v12 =	vmov s31;
	v15 =	vsub.f32 v16, v15  }
0x78: {  	v16 =	vmul.f32 v14, v14  }
0x79: {  	v15 =	vmul.f32 v15, v15  }
0x7a: {  	v14 =	vsub.f32 $0.0e+00, v16  }
0x7b: {  	v21 =	vld [tilespmem:$0xD00];
	v17 =	vsub.f32 $0.0e+00, v15  }
0x7c: {  	s5 =	simm.s32 $0xD80;
	v10 =	vmul.f32 v10, v10;
	v18 =	vld.idx.msk [tilespmem:v12+s6+$0x0], $0xffff;
	v14 =	vmul.f32 $1.442695020e+00, v14  }
0x7d: {  	v19 =	vld.idx.msk [tilespmem:v22+s5+$0x0], $0xffff;
	v20 =	vmul.f32 $1.442695020e+00, v17  }
0x7e: {  	v11 =	vmul.f32 v11, v11;
	v10 =	vnsel vm2, $0x0, v10;
	v17 =	vld [tilespmem:$0xD80];
	(erf) = vpow2.f32 v14  }
0x7f: {  	v9 =	vadd.f32 v10, v9;
	(erf) = vpow2.f32 v20;
	v20 =	vld [tilespmem:$0xD10]  }
0x80: {  	v10 =	vnsel vm3, $0x0, v11  }
0x81: {  	v9 =	vadd.f32 v10, v9;
	v10 =	vlaneseq.u32  }
0x82: {  	s7 =	simm.s32 $0x3;
	v11 =	vor.u32 $0x10, v10;
	vm3 =	vgt.u32 v22, v10  }
0x83: {  	vm2 =	vgt.u32 v22, v11;
	v21 =	vsub.f32 v21, v18;
	v14 =	vmov s7;
	s7 =	simm.s32 $0x4  }
.LBB2_7:
0x84: {  	p0 =	sne.s32 s7, $0x1D;
	v18 =	vsub.f32 v20, v18;
	vm5 =	vgt.f32 v17, $0.0e+00;
	vm4 =	vgt.f32 v19, $0.0e+00;
	v22 =	vmovc v14  }
0x85: {  	vm6 =	vlt.f32 v16, $0.0e+00;
	vm7 =	vgt.f32 v16, $0.0e+00;
	v16 =	vmul.f32 v21, v21  }
0x86: {  	vm6 =	vmor vm7, vm6;
	vm7 =	vlt.f32 v15, $0.0e+00;
	v17 =	vld [tilespmem:$0xD80];
	v19 =	vmul.f32 v18, v18  }
0x87: {  	vm3 =	vmand vm3, vm6;
	vm6 =	vgt.f32 v15, $0.0e+00;
	v21 =	vld [tilespmem:$0xD00];
	v20 =	vsub.f32 $0.0e+00, v16  }
0x88: {  	vm3 =	vmand vm5, vm3;
	vm5 =	vmor vm6, vm7;
	v18 =	vld.idx.msk [tilespmem:v14+s6+$0x0], $0xffff;
	v26 =	vsub.f32 $0.0e+00, v19;
	v15 =	vmovc v19  }
0x89: {  	vm3 =	vmand vm4, vm3;
	vm2 =	vmand vm2, vm5;
	v19 =	vld.idx.msk [tilespmem:v12+s5+$0x0], $0xffff;
	v23 =	vmul.f32 $1.442695020e+00, v20;
	v24 =	vpop (erf)  }
.Ltmp3:
0x8a: {  	vm2 =	vmand vm1, vm2;
	v20 =	vld [tilespmem:$0xD10];
	v25 =	vmul.f32 $1.442695020e+00, v26;
	v24 =	vnsel vm3, $0x0, v24;
	(pc) =	sbr.rel @p0 .LBB2_7-.Ltmp3, $4  }
0x8b: {  	vm2 =	vmand vm4, vm2;
	(erf) = vpow2.f32 v23;
	v13 =	vadd.f32 v24, v13;
	v14 =	vpop (erf)  }
0x8c: {  	v23 =	vnsel vm2, $0x0, v14  }
0x8d: {  	v14 =	vmov s7;
	(erf) = vpow2.f32 v25;
	v13 =	vadd.f32 v23, v13  }
0x8e: {  	vm3 =	vgt.u32 v12, v10;
	s7 =	sadd.s32 $0x1, s7;
	vm2 =	vgt.u32 v12, v11;
	v12 =	vmovc v22;
	v21 =	vsub.f32 v21, v18  }
0x8f: {  	_ = 	snop  }
0x90: {  	v18 =	vsub.f32 v20, v18;
	vm4 =	vgt.f32 v17, $0.0e+00;
	vm5 =	vgt.f32 v19, $0.0e+00  }
0x91: {  	vm6 =	vlt.f32 v16, $0.0e+00;
	vm7 =	vgt.f32 v16, $0.0e+00;
	v32 =	vmul.f32 v21, v21  }
0x92: {  	vm14 =	vlt.f32 v15, $0.0e+00;
	v34 =	vld [tilespmem:$0xD00];
	vm15 =	vgt.f32 v15, $0.0e+00;
	vm9 =	vgt.u32 v12, v10  }
0x93: {  	v36 =	vld.idx.msk [tilespmem:v14+s6+$0x0], $0xffff;
	vm10 =	vgt.u32 v12, v11;
	v33 =	vmul.f32 v18, v18;
	v35 =	vsub.f32 $0.0e+00, v32  }
0x94: {  	v2 =	vmul.f32 v3, v2;
	v53 =	vmul.f32 v8, v7;
	vm6 =	vmor vm7, vm6  }
0x95: {  	v22 =	vld [tilespmem:$0xD10];
	vm8 =	vmor vm15, vm14;
	v37 =	vsub.f32 $0.0e+00, v33;
	v19 =	vmul.f32 $1.442695020e+00, v35  }
0x96: {  	vm3 =	vmand vm3, vm6;
	vm2 =	vmand vm2, vm8;
	v2 =	vsub.f32 v4, v2  }
0x97: {  	v54 =	vsub.f32 v9, v53;
	v38 =	vpop (erf);
	v20 =	vmul.f32 $1.442695020e+00, v37;
	(erf) = vpow2.f32 v19  }
0x98: {  	vm3 =	vmand vm4, vm3;
	vm2 =	vmand vm1, vm2;
	v18 =	vsub.f32 v34, v36  }
0x99: {  	vm12 =	vlt.f32 v32, $0.0e+00;
	vm13 =	vgt.f32 v32, $0.0e+00;
	v39 =	vpop (erf);
	(erf) = vpow2.f32 v20  }
0x9a: {  	v23 =	vld [tilespmem:$0xD80];
	vm3 =	vmand vm5, vm3;
	v41 =	vsub.f32 v22, v36;
	v42 =	vmul.f32 v18, v18  }
0x9b: {  	vm2 =	vmand vm5, vm2;
	vm5 =	vmor vm13, vm12;
	vm14 =	vlt.f32 v33, $0.0e+00  }
0x9c: {  	v40 =	vld.idx.msk [tilespmem:v12+s5+$0x0], $0xffff;
	vm15 =	vgt.f32 v33, $0.0e+00;
	v12 =	vmul.f32 v41, v41;
	v43 =	vsub.f32 $0.0e+00, v42  }
0x9d: {  	v45 =	vld [tilespmem:$0xD80];
	vm12 =	vgt.u32 v14, v11;
	v1 =	vmul.f32 v2, v1;
	v2 =	vmul.f32 v54, v6  }
0x9e: {  	v21 =	vnsel vm3, $0x0, v38;
	v46 =	vsub.f32 $0.0e+00, v12;
	v44 =	vmul.f32 $1.442695020e+00, v43  }
0x9f: {  	vm11 =	vgt.f32 v23, $0.0e+00;
	v1 =	vadd.f32 $0.0e+00, v1;
	v13 =	vadd.f32 v21, v13  }
0xa0: {  	v19 =	vnsel vm2, $0x0, v39;
	v49 =	vmul.f32 $1.442695020e+00, v46;
	v48 =	vpop (erf);
	(erf) = vpow2.f32 v44  }
0xa1: {  	vm2 =	vmand vm9, vm5;
	vm9 =	vgt.f32 v40, $0.0e+00;
	vm5 =	vmor vm15, vm14  }
0xa2: {  	vm15 =	vgt.f32 v45, $0.0e+00;
	v13 =	vadd.f32 v19, v13;
	v51 =	vpop (erf);
	(erf) = vpow2.f32 v49  }
0xa3: {  	v47 =	vld.idx.msk [tilespmem:v14+s5+$0x0], $0xffff;
	vm2 =	vmand vm11, vm2;
	vm3 =	vmand vm10, vm5;
	vm11 =	vgt.u32 v14, v10  }
0xa4: {  	vm13 =	vlt.f32 v42, $0.0e+00;
	vm14 =	vgt.f32 v42, $0.0e+00;
	vm3 =	vmand vm1, vm3  }
0xa5: {  	vm2 =	vmand vm9, vm2;
	vm4 =	vmor vm14, vm13;
	vm10 =	vmand vm9, vm3  }
0xa6: {  	v50 =	vnsel vm2, $0x0, v48;
	vm2 =	vmand vm11, vm4;
	vm11 =	vgt.f32 v12, $0.0e+00  }
0xa7: {  	v13 =	vadd.f32 v50, v13;
	v52 =	vnsel vm10, $0x0, v51;
	vm10 =	vlt.f32 v12, $0.0e+00  }
0xa8: {  	vm9 =	vgt.f32 v47, $0.0e+00;
	vm2 =	vmand vm15, vm2;
	vm4 =	vmor vm11, vm10  }
0xa9: {  	vm2 =	vmand vm9, vm2;
	v55 =	vadd.f32 v52, v13;
	vm3 =	vmand vm12, vm4;
	v56 =	vpop (erf)  }
0xaa: {  	v2 =	vnsel vm1, $0x0, v2;
	vm12 =	vmand vm1, vm3;
	v4 =	vnsel vm2, $0x0, v56  }
0xab: {  	v1 =	vnsel vm0, $0x0, v1;
	vm2 =	vmand vm9, vm12;
	v57 =	vpop (erf);
	v3 =	vadd.f32 v4, v55  }
0xac: {  	v1 =	vadd.f32 v2, v1;
	v4 =	vnsel vm2, $0x0, v57  }
0xad: {  	v58 =	vadd.f32 v4, v3  }
0xae: {  	v0 =	vadd.f32 v5, v0;
	(xrf2) =	vadd.scan.msk.f32 $0xffff, v1  }
0xaf: {  	(xrf2) =	vadd.scan.msk.f32 $0xffff, v58  }
0xb0: {  	(xrf2) =	vadd.scan.msk.f32 $0xffff, v0;
	_ =	sdelay $0x7  }
0xb1: {  	v59, _, _ =	vpop (xrf2)  }
0xb2: {  	v60, _, _ =	vpop (xrf2)  }
0xb3: {  	v61, _, _ =	vpop (xrf2)  }
0xb4: {  	v2 =	vbroadcast v61, $0xF;
	_ =	sdelay $0x1  }
0xb5: {  	v62 =	vadd.f32 $-1.000000000e+00, v2;
	_ =	sdelay $0x1  }
0xb6: {  	v3 =	vmul.f32 v62, v2;
	_ =	sdelay $0x1  }
0xb7: {  	v3 =	vadd.f32 $9.999999970e-07, v3  }
0xb8: {  	v63 =	vadd.f32 $9.999999970e-07, v2  }
0xb9: {  	(erf) = vrcp.f32 v3  }
0xba: {  	(erf) = vrcp.f32 v63;
	_ =	sdelay $0x7  }
0xbb: {  	v0 =	vbroadcast v59, $0xF;
	v3 =	vpop (erf)  }
0xbc: {  	v1 =	vbroadcast v60, $0xF;
	v4 =	vpop (erf)  }
0xbd: {  	v0 =	vmul.f32 v0, v4  }
0xbe: {  	vm13 =	vgt.f32 v2, $0.0e+00;
	v1 =	vmul.f32 v1, v3  }
0xbf: {  	s2 =	sshll.u32 s2, $0xA;
	vm14 =	vcmask $0x3F08;
	v0 =	vnsel vm13, $0x0, v0  }
0xc0: {  	s2 =	sor.u32 s3, s2;
	vm15 =	vmmov $0x1;
	v1 =	vnsel vm13, $0x0, v1;
	v0 =	vsel vm14, $0x0, v0  }
0xc1: {  	s29 =	simm.s32 $0x0;
	s2 =	sshrl.u32 s2, $0x3;
	v0 =	vsel vm15, v1, v0  }
0xc2: {  	s30 =	simm.s32 $0xE00;
	s31 =	simm.s32 $0x2;
	s2 =	sadd.s32 s4, s2;
	[tilespmem:$0xE00] =	vst v0  }
0xc3: {  	[hbm4b:s2+s29] =	stream.linear.scatter [tilespmem:s30], [sflag:$0x2], $0x80, $0x38;
	[tilespmem:$0xE80] =	vst v63  }
0xc4: {  	_ =	swait.ge [sflag:s31], $0x80  }
0xc5: {  	[sflag:s31] =	ssyncset.done $0x0  }
0xc6: {  	[sflag:s31] =	ssyncadd.s32 $0xFFFFFF80  }
0xc7: {  	_ =	sfence.sel $0x180000  }
0xc8: {  	[bflag:$0x0] =	sbarrier.arrive $0xFFFF  }
0xc9: {  	p0 =	sne.s32 s0, $0x0;
	_ =	strace $0x90000047  }
0xca: {  	s0 =	sadd.s32 @!p0 $0x100000, s1;
	[bflag:$0x2] =	sbarrier.arrive $0xFFFF  }
0xcb: {  	[sflag:s0] =	ssyncadd.tile.s32 @!p0 $0x1;
	_ =	shalt  }
.Lfunc_end2:
_tile_overlayer_lowered:
.L_overlay_start_2:
0xcc: {  	(tag) =	ssettag $0x2  }
0xcd: {  	s0 =	rddreg [dreg:$0x0];
	s2 =	stileid.u32  }
0xce: {  	s1 =	rddreg [dreg:$0x1];
	p0 =	sne.s32 s2, $0x0  }
0xcf: {  	s3 =	rddreg [dreg:$0x2];
	[bflag:$0x3] =	sbarrier.arrive $0xFFFF;
	s2 =	simm.s32 @!p0 $0x1C02  }
0xd0: {  	[timem:s3], [sflag:s2] =	dma.local @!p0 [hbm:s0], s1  }
0xd1: {  	s0 =	simm.s32 @!p0 $0x2  }
0xd2: {  	_ =	swait.ge @!p0 [sflag:s0], s1  }
0xd3: {  	s1 =	ssub.s32 @!p0 $0x0, s1;
	[sflag:s0] =	ssyncset.done @!p0 $0x0  }
0xd4: {  	[sflag:s0] =	ssyncadd.s32 @!p0 s1  }
0xd5: {  	[bflag:$0x3] =	sbarrier.arrive $0xFFFF  }
0xd6: {  	_ =	shalt  }

</sc_bundles>
